<compile_context>
chip_gen: v7x
topology: tpu7x:2x2x1
jax: 0.10.2.dev20260603
libtpu: 0.0.44.dev20260713+nightly
codegen_flags: <defaults>
</compile_context>

<pallas_src>
import functools

import jax
import jax.numpy as jnp
from jax import lax
from jax.experimental import pallas as pl
from jax.experimental.pallas import tpu as pltpu
from jax.experimental.pallas import tpu_sc as plsc

_IW = 128
_GROW = 2
_NBUF = 4


@functools.cache
def _build(n, d):
    info = plsc.get_sparse_core_info()
    nw = info.num_cores * info.num_subcores
    nrows = n // _IW
    rows_per_worker = nrows // nw
    groups = rows_per_worker // _GROW

    mesh = plsc.VectorSubcoreMesh(core_axis_name="c", subcore_axis_name="s")

    @functools.partial(
        pl.kernel,
        mesh=mesh,
        compiler_params=pltpu.CompilerParams(use_tc_tiling_on_sc=False),
        out_type=jax.ShapeDtypeStruct((n, d), jnp.float32),
        scratch_types=[
            pltpu.VMEM((rows_per_worker, _IW), jnp.int32),
            pltpu.VMEM((_NBUF, _GROW * _IW, d), jnp.float32),
            pltpu.SemaphoreType.DMA,
            pltpu.SemaphoreType.DMA,
            pltpu.SemaphoreType.DMA,
            pltpu.SemaphoreType.DMA,
            pltpu.SemaphoreType.DMA,
            pltpu.SemaphoreType.DMA,
            pltpu.SemaphoreType.DMA,
            pltpu.SemaphoreType.DMA,
        ],
    )
    def gather_kernel(idx_hbm, table_hbm, out_hbm, idx_v, rows_v,
                      gsem0, gsem1, gsem2, gsem3,
                      wsem0, wsem1, wsem2, wsem3):
        wid = lax.axis_index("s") * info.num_cores + lax.axis_index("c")
        row0 = wid * rows_per_worker
        gsems = (gsem0, gsem1, gsem2, gsem3)
        wsems = (wsem0, wsem1, wsem2, wsem3)

        pltpu.sync_copy(idx_hbm.at[pl.ds(row0, rows_per_worker)], idx_v)

        def fire_gather(bf, g):
            for r in range(_GROW):
                pltpu.async_copy(
                    table_hbm.at[idx_v.at[g * _GROW + r]],
                    rows_v.at[bf].at[pl.ds(r * _IW, _IW)],
                    gsems[bf],
                )

        def wait_gather(bf, g):
            for r in range(_GROW):
                pltpu.make_async_copy(
                    table_hbm.at[idx_v.at[g * _GROW + r]],
                    rows_v.at[bf].at[pl.ds(r * _IW, _IW)],
                    gsems[bf],
                ).wait()

        def fire_wb(bf, g):
            pltpu.async_copy(
                rows_v.at[bf],
                out_hbm.at[pl.ds((row0 + g * _GROW) * _IW, _GROW * _IW)],
                wsems[bf],
            )

        def wait_wb(bf, g):
            pltpu.make_async_copy(
                rows_v.at[bf],
                out_hbm.at[pl.ds((row0 + g * _GROW) * _IW, _GROW * _IW)],
                wsems[bf],
            ).wait()

        for g0 in range(_NBUF):
            fire_gather(g0, g0)

        def body(qp, carry):
            for bf in range(_NBUF):
                g = _NBUF * qp + bf
                wait_gather(bf, g)
                fire_wb(bf, g)
                @pl.when(jnp.logical_and(g >= 2, g + 2 < groups))
                def _():
                    nxt = (bf + 2) % _NBUF
                    wait_wb(nxt, g - 2)
                    fire_gather(nxt, g + 2)
            return carry

        lax.fori_loop(0, groups // _NBUF, body, 0)

        for g in range(groups - _NBUF, groups):
            wait_wb(g % _NBUF, g)

    return gather_kernel


def kernel(idx, codebook):
    b, s = idx.shape
    d = codebook.shape[1]
    n = b * s
    idx2 = idx.astype(jnp.int32).reshape(n // _IW, _IW)
    out = _build(n, d)(idx2, codebook)
    return out.reshape(b, s, d)

# --- scband reference (transcript-rebuilt; emitter-appended) ---
"""Pipeline reference for scband-codebook-44384192036985 (READ-ONLY COPY).

The authoritative reference and input builder live on the scoring server;
editing this copy changes nothing except your own understanding.
"""

import jax, jax.numpy as jnp
import numpy as np

NUM_ENTRIES = 1000000
ENTRY_SIZE = 64

def setup_inputs(seed: int = 0) -> dict:
    key = jax.random.key(seed)
    k_idx, k_tab = jax.random.split(key)
    idx = jax.random.randint(k_idx, (16384, 50), 0, NUM_ENTRIES, dtype=jnp.int64 if jax.config.jax_enable_x64 else jnp.int32)
    codebook = jax.random.normal(k_tab, (NUM_ENTRIES, ENTRY_SIZE), dtype=jnp.float32)
    return {"idx": idx, "codebook": codebook}

def reference(idx, codebook):
    # Faithful translation of nn.Embedding lookup: codebook(idx)
    return jnp.take(codebook, idx, axis=0)

if __name__ == "__main__":
    import jax
    _d = setup_inputs()
    print(jax.jit(kernel)(*tuple(_d.values())))

</pallas_src>

<mosaic_0001>
#map = affine_map<(d0, d1) -> (0, 0)>
module attributes {stable_mosaic.version = 14 : i64} {
  func.func @gather_kernel(%arg0: i32, %arg1: i32, %arg2: memref<6400x128xi32, #tpu.memory_space<hbm>>, %arg3: memref<1000000x64xf32, #tpu.memory_space<hbm>>, %arg4: memref<819200x64xf32, #tpu.memory_space<hbm>>, %arg5: memref<200x128xi32, #tpu.memory_space<vmem>>, %arg6: memref<4x256x64xf32, #tpu.memory_space<vmem>>, %arg7: memref<!tpu.dma_semaphore, #tpu.memory_space<semaphore_mem>>, %arg8: memref<!tpu.dma_semaphore, #tpu.memory_space<semaphore_mem>>, %arg9: memref<!tpu.dma_semaphore, #tpu.memory_space<semaphore_mem>>, %arg10: memref<!tpu.dma_semaphore, #tpu.memory_space<semaphore_mem>>, %arg11: memref<!tpu.dma_semaphore, #tpu.memory_space<semaphore_mem>>, %arg12: memref<!tpu.dma_semaphore, #tpu.memory_space<semaphore_mem>>, %arg13: memref<!tpu.dma_semaphore, #tpu.memory_space<semaphore_mem>>, %arg14: memref<!tpu.dma_semaphore, #tpu.memory_space<semaphore_mem>>) attributes {dimension_semantics = [#tpu.dimension_semantics<core_parallel>, #tpu.dimension_semantics<subcore_parallel>], iteration_bounds = array<i64: 2, 16>, scalar_prefetch = 0 : i64, scratch_operands = 10 : i64, tpu.core_type = #tpu.core_type<sc_vector_subcore>, window_params = [{transform_indices = #map}, {transform_indices = #map}, {transform_indices = #map}]} {
    %mul3A = arith.constant 2 : i32
    %mul3A_0 = arith.muli %arg1, %mul3A : i32
    %add3A = arith.addi %mul3A_0, %arg0 : i32
    %mul3A_1 = arith.constant 200 : i32
    %mul3A_2 = arith.muli %add3A, %mul3A_1 : i32
    "tpu.region"() ({
      %run_scoped3A = tpu.sem_alloc : memref<!tpu.dma_semaphore, #tpu.memory_space<semaphore_mem>>
      %dma_start3A_194 = arith.constant 0 : i32
      %dma_start3A_195 = tpu.memref_slice %arg2[%mul3A_2, %dma_start3A_194] : memref<6400x128xi32, #tpu.memory_space<hbm>> -> memref<200x128xi32, #tpu.memory_space<hbm>>
      %dma_start3A_196 = arith.constant 0 : i32
      %dma_start3A_197 = tpu.memref_slice %arg2[%mul3A_2, %dma_start3A_196] : memref<6400x128xi32, #tpu.memory_space<hbm>> -> memref<200x128xi32, #tpu.memory_space<hbm>>
      tpu.enqueue_dma source(%dma_start3A_197 : memref<200x128xi32, #tpu.memory_space<hbm>>) target(%arg5 : memref<200x128xi32, #tpu.memory_space<vmem>>) target_semaphore(%run_scoped3A : memref<!tpu.dma_semaphore, #tpu.memory_space<semaphore_mem>>)
      %dma_wait3A_198 = arith.constant 0 : i32
      %dma_wait3A_199 = tpu.memref_slice %arg2[%mul3A_2, %dma_wait3A_198] : memref<6400x128xi32, #tpu.memory_space<hbm>> -> memref<200x128xi32, #tpu.memory_space<hbm>>
      %dma_wait3A_200 = arith.constant 0 : i32
      %dma_wait3A_201 = tpu.memref_slice %arg2[%mul3A_2, %dma_wait3A_200] : memref<6400x128xi32, #tpu.memory_space<hbm>> -> memref<200x128xi32, #tpu.memory_space<hbm>>
      tpu.wait_dma2 semaphore(%run_scoped3A : memref<!tpu.dma_semaphore, #tpu.memory_space<semaphore_mem>>) src(%dma_wait3A_201 : memref<200x128xi32, #tpu.memory_space<hbm>>) dst(%arg5 : memref<200x128xi32, #tpu.memory_space<vmem>>)
      tpu.yield
    }) : () -> ()
    %dma_start3A = arith.constant 0 : i32
    %dma_start3A_3 = arith.constant 0 : i32
    %dma_start3A_4 = arith.constant 0 : i32
    %dma_start3A_5 = arith.constant 0 : i32
    %dma_start3A_6 = tpu.memref_slice %arg6[%dma_start3A_3, %dma_start3A_4, %dma_start3A_5] : memref<4x256x64xf32, #tpu.memory_space<vmem>> -> memref<1x256x64xf32, #tpu.memory_space<vmem>>
    %dma_start3A_7 = tpu.memref_squeeze %dma_start3A_6 : memref<1x256x64xf32, #tpu.memory_space<vmem>> -> memref<256x64xf32, #tpu.memory_space<vmem>>
    %dma_start3A_8 = arith.constant 0 : i32
    %dma_start3A_9 = arith.constant 0 : i32
    %dma_start3A_10 = tpu.memref_slice %dma_start3A_7[%dma_start3A_8, %dma_start3A_9] : memref<256x64xf32, #tpu.memory_space<vmem>> -> memref<128x64xf32, #tpu.memory_space<vmem>>
    %dma_start3A_11 = arith.constant 0 : i32
    %dma_start3A_12 = tpu.memref_slice %arg5[%dma_start3A, %dma_start3A_11] : memref<200x128xi32, #tpu.memory_space<vmem>> -> memref<1x128xi32, #tpu.memory_space<vmem>>
    %dma_start3A_13 = tpu.memref_squeeze %dma_start3A_12 : memref<1x128xi32, #tpu.memory_space<vmem>> -> memref<128xi32, #tpu.memory_space<vmem>>
    %dma_start3A_14 = arith.constant 0 : i32
    %dma_start3A_15 = arith.constant 0 : i32
    %dma_start3A_16 = tpu.memref_slice %arg3[%dma_start3A_14, %dma_start3A_15] : memref<1000000x64xf32, #tpu.memory_space<hbm>> -> memref<1000000x64xf32, #tpu.memory_space<hbm>>
    tpu.enqueue_indirect_dma source(%dma_start3A_16 : memref<1000000x64xf32, #tpu.memory_space<hbm>>) target(%dma_start3A_10 : memref<128x64xf32, #tpu.memory_space<vmem>>) offsets(%dma_start3A_13 : memref<128xi32, #tpu.memory_space<vmem>>) semaphore(%arg7 : memref<!tpu.dma_semaphore, #tpu.memory_space<semaphore_mem>>)
    %dma_start3A_17 = arith.constant 1 : i32
    %dma_start3A_18 = arith.constant 0 : i32
    %dma_start3A_19 = arith.constant 0 : i32
    %dma_start3A_20 = arith.constant 0 : i32
    %dma_start3A_21 = tpu.memref_slice %arg6[%dma_start3A_18, %dma_start3A_19, %dma_start3A_20] : memref<4x256x64xf32, #tpu.memory_space<vmem>> -> memref<1x256x64xf32, #tpu.memory_space<vmem>>
    %dma_start3A_22 = tpu.memref_squeeze %dma_start3A_21 : memref<1x256x64xf32, #tpu.memory_space<vmem>> -> memref<256x64xf32, #tpu.memory_space<vmem>>
    %dma_start3A_23 = arith.constant 128 : i32
    %dma_start3A_24 = arith.constant 0 : i32
    %dma_start3A_25 = tpu.memref_slice %dma_start3A_22[%dma_start3A_23, %dma_start3A_24] : memref<256x64xf32, #tpu.memory_space<vmem>> -> memref<128x64xf32, #tpu.memory_space<vmem>>
    %dma_start3A_26 = arith.constant 0 : i32
    %dma_start3A_27 = tpu.memref_slice %arg5[%dma_start3A_17, %dma_start3A_26] : memref<200x128xi32, #tpu.memory_space<vmem>> -> memref<1x128xi32, #tpu.memory_space<vmem>>
    %dma_start3A_28 = tpu.memref_squeeze %dma_start3A_27 : memref<1x128xi32, #tpu.memory_space<vmem>> -> memref<128xi32, #tpu.memory_space<vmem>>
    %dma_start3A_29 = arith.constant 0 : i32
    %dma_start3A_30 = arith.constant 0 : i32
    %dma_start3A_31 = tpu.memref_slice %arg3[%dma_start3A_29, %dma_start3A_30] : memref<1000000x64xf32, #tpu.memory_space<hbm>> -> memref<1000000x64xf32, #tpu.memory_space<hbm>>
    tpu.enqueue_indirect_dma source(%dma_start3A_31 : memref<1000000x64xf32, #tpu.memory_space<hbm>>) target(%dma_start3A_25 : memref<128x64xf32, #tpu.memory_space<vmem>>) offsets(%dma_start3A_28 : memref<128xi32, #tpu.memory_space<vmem>>) semaphore(%arg7 : memref<!tpu.dma_semaphore, #tpu.memory_space<semaphore_mem>>)
    %dma_start3A_32 = arith.constant 2 : i32
    %dma_start3A_33 = arith.constant 1 : i32
    %dma_start3A_34 = arith.constant 0 : i32
    %dma_start3A_35 = arith.constant 0 : i32
    %dma_start3A_36 = tpu.memref_slice %arg6[%dma_start3A_33, %dma_start3A_34, %dma_start3A_35] : memref<4x256x64xf32, #tpu.memory_space<vmem>> -> memref<1x256x64xf32, #tpu.memory_space<vmem>>
    %dma_start3A_37 = tpu.memref_squeeze %dma_start3A_36 : memref<1x256x64xf32, #tpu.memory_space<vmem>> -> memref<256x64xf32, #tpu.memory_space<vmem>>
    %dma_start3A_38 = arith.constant 0 : i32
    %dma_start3A_39 = arith.constant 0 : i32
    %dma_start3A_40 = tpu.memref_slice %dma_start3A_37[%dma_start3A_38, %dma_start3A_39] : memref<256x64xf32, #tpu.memory_space<vmem>> -> memref<128x64xf32, #tpu.memory_space<vmem>>
    %dma_start3A_41 = arith.constant 0 : i32
    %dma_start3A_42 = tpu.memref_slice %arg5[%dma_start3A_32, %dma_start3A_41] : memref<200x128xi32, #tpu.memory_space<vmem>> -> memref<1x128xi32, #tpu.memory_space<vmem>>
    %dma_start3A_43 = tpu.memref_squeeze %dma_start3A_42 : memref<1x128xi32, #tpu.memory_space<vmem>> -> memref<128xi32, #tpu.memory_space<vmem>>
    %dma_start3A_44 = arith.constant 0 : i32
    %dma_start3A_45 = arith.constant 0 : i32
    %dma_start3A_46 = tpu.memref_slice %arg3[%dma_start3A_44, %dma_start3A_45] : memref<1000000x64xf32, #tpu.memory_space<hbm>> -> memref<1000000x64xf32, #tpu.memory_space<hbm>>
    tpu.enqueue_indirect_dma source(%dma_start3A_46 : memref<1000000x64xf32, #tpu.memory_space<hbm>>) target(%dma_start3A_40 : memref<128x64xf32, #tpu.memory_space<vmem>>) offsets(%dma_start3A_43 : memref<128xi32, #tpu.memory_space<vmem>>) semaphore(%arg8 : memref<!tpu.dma_semaphore, #tpu.memory_space<semaphore_mem>>)
    %dma_start3A_47 = arith.constant 3 : i32
    %dma_start3A_48 = arith.constant 1 : i32
    %dma_start3A_49 = arith.constant 0 : i32
    %dma_start3A_50 = arith.constant 0 : i32
    %dma_start3A_51 = tpu.memref_slice %arg6[%dma_start3A_48, %dma_start3A_49, %dma_start3A_50] : memref<4x256x64xf32, #tpu.memory_space<vmem>> -> memref<1x256x64xf32, #tpu.memory_space<vmem>>
    %dma_start3A_52 = tpu.memref_squeeze %dma_start3A_51 : memref<1x256x64xf32, #tpu.memory_space<vmem>> -> memref<256x64xf32, #tpu.memory_space<vmem>>
    %dma_start3A_53 = arith.constant 128 : i32
    %dma_start3A_54 = arith.constant 0 : i32
    %dma_start3A_55 = tpu.memref_slice %dma_start3A_52[%dma_start3A_53, %dma_start3A_54] : memref<256x64xf32, #tpu.memory_space<vmem>> -> memref<128x64xf32, #tpu.memory_space<vmem>>
    %dma_start3A_56 = arith.constant 0 : i32
    %dma_start3A_57 = tpu.memref_slice %arg5[%dma_start3A_47, %dma_start3A_56] : memref<200x128xi32, #tpu.memory_space<vmem>> -> memref<1x128xi32, #tpu.memory_space<vmem>>
    %dma_start3A_58 = tpu.memref_squeeze %dma_start3A_57 : memref<1x128xi32, #tpu.memory_space<vmem>> -> memref<128xi32, #tpu.memory_space<vmem>>
    %dma_start3A_59 = arith.constant 0 : i32
    %dma_start3A_60 = arith.constant 0 : i32
    %dma_start3A_61 = tpu.memref_slice %arg3[%dma_start3A_59, %dma_start3A_60] : memref<1000000x64xf32, #tpu.memory_space<hbm>> -> memref<1000000x64xf32, #tpu.memory_space<hbm>>
    tpu.enqueue_indirect_dma source(%dma_start3A_61 : memref<1000000x64xf32, #tpu.memory_space<hbm>>) target(%dma_start3A_55 : memref<128x64xf32, #tpu.memory_space<vmem>>) offsets(%dma_start3A_58 : memref<128xi32, #tpu.memory_space<vmem>>) semaphore(%arg8 : memref<!tpu.dma_semaphore, #tpu.memory_space<semaphore_mem>>)
    %dma_start3A_62 = arith.constant 4 : i32
    %dma_start3A_63 = arith.constant 2 : i32
    %dma_start3A_64 = arith.constant 0 : i32
    %dma_start3A_65 = arith.constant 0 : i32
    %dma_start3A_66 = tpu.memref_slice %arg6[%dma_start3A_63, %dma_start3A_64, %dma_start3A_65] : memref<4x256x64xf32, #tpu.memory_space<vmem>> -> memref<1x256x64xf32, #tpu.memory_space<vmem>>
    %dma_start3A_67 = tpu.memref_squeeze %dma_start3A_66 : memref<1x256x64xf32, #tpu.memory_space<vmem>> -> memref<256x64xf32, #tpu.memory_space<vmem>>
    %dma_start3A_68 = arith.constant 0 : i32
    %dma_start3A_69 = arith.constant 0 : i32
    %dma_start3A_70 = tpu.memref_slice %dma_start3A_67[%dma_start3A_68, %dma_start3A_69] : memref<256x64xf32, #tpu.memory_space<vmem>> -> memref<128x64xf32, #tpu.memory_space<vmem>>
    %dma_start3A_71 = arith.constant 0 : i32
    %dma_start3A_72 = tpu.memref_slice %arg5[%dma_start3A_62, %dma_start3A_71] : memref<200x128xi32, #tpu.memory_space<vmem>> -> memref<1x128xi32, #tpu.memory_space<vmem>>
    %dma_start3A_73 = tpu.memref_squeeze %dma_start3A_72 : memref<1x128xi32, #tpu.memory_space<vmem>> -> memref<128xi32, #tpu.memory_space<vmem>>
    %dma_start3A_74 = arith.constant 0 : i32
    %dma_start3A_75 = arith.constant 0 : i32
    %dma_start3A_76 = tpu.memref_slice %arg3[%dma_start3A_74, %dma_start3A_75] : memref<1000000x64xf32, #tpu.memory_space<hbm>> -> memref<1000000x64xf32, #tpu.memory_space<hbm>>
    tpu.enqueue_indirect_dma source(%dma_start3A_76 : memref<1000000x64xf32, #tpu.memory_space<hbm>>) target(%dma_start3A_70 : memref<128x64xf32, #tpu.memory_space<vmem>>) offsets(%dma_start3A_73 : memref<128xi32, #tpu.memory_space<vmem>>) semaphore(%arg9 : memref<!tpu.dma_semaphore, #tpu.memory_space<semaphore_mem>>)
    %dma_start3A_77 = arith.constant 5 : i32
    %dma_start3A_78 = arith.constant 2 : i32
    %dma_start3A_79 = arith.constant 0 : i32
    %dma_start3A_80 = arith.constant 0 : i32
    %dma_start3A_81 = tpu.memref_slice %arg6[%dma_start3A_78, %dma_start3A_79, %dma_start3A_80] : memref<4x256x64xf32, #tpu.memory_space<vmem>> -> memref<1x256x64xf32, #tpu.memory_space<vmem>>
    %dma_start3A_82 = tpu.memref_squeeze %dma_start3A_81 : memref<1x256x64xf32, #tpu.memory_space<vmem>> -> memref<256x64xf32, #tpu.memory_space<vmem>>
    %dma_start3A_83 = arith.constant 128 : i32
    %dma_start3A_84 = arith.constant 0 : i32
    %dma_start3A_85 = tpu.memref_slice %dma_start3A_82[%dma_start3A_83, %dma_start3A_84] : memref<256x64xf32, #tpu.memory_space<vmem>> -> memref<128x64xf32, #tpu.memory_space<vmem>>
    %dma_start3A_86 = arith.constant 0 : i32
    %dma_start3A_87 = tpu.memref_slice %arg5[%dma_start3A_77, %dma_start3A_86] : memref<200x128xi32, #tpu.memory_space<vmem>> -> memref<1x128xi32, #tpu.memory_space<vmem>>
    %dma_start3A_88 = tpu.memref_squeeze %dma_start3A_87 : memref<1x128xi32, #tpu.memory_space<vmem>> -> memref<128xi32, #tpu.memory_space<vmem>>
    %dma_start3A_89 = arith.constant 0 : i32
    %dma_start3A_90 = arith.constant 0 : i32
    %dma_start3A_91 = tpu.memref_slice %arg3[%dma_start3A_89, %dma_start3A_90] : memref<1000000x64xf32, #tpu.memory_space<hbm>> -> memref<1000000x64xf32, #tpu.memory_space<hbm>>
    tpu.enqueue_indirect_dma source(%dma_start3A_91 : memref<1000000x64xf32, #tpu.memory_space<hbm>>) target(%dma_start3A_85 : memref<128x64xf32, #tpu.memory_space<vmem>>) offsets(%dma_start3A_88 : memref<128xi32, #tpu.memory_space<vmem>>) semaphore(%arg9 : memref<!tpu.dma_semaphore, #tpu.memory_space<semaphore_mem>>)
    %dma_start3A_92 = arith.constant 6 : i32
    %dma_start3A_93 = arith.constant 3 : i32
    %dma_start3A_94 = arith.constant 0 : i32
    %dma_start3A_95 = arith.constant 0 : i32
    %dma_start3A_96 = tpu.memref_slice %arg6[%dma_start3A_93, %dma_start3A_94, %dma_start3A_95] : memref<4x256x64xf32, #tpu.memory_space<vmem>> -> memref<1x256x64xf32, #tpu.memory_space<vmem>>
    %dma_start3A_97 = tpu.memref_squeeze %dma_start3A_96 : memref<1x256x64xf32, #tpu.memory_space<vmem>> -> memref<256x64xf32, #tpu.memory_space<vmem>>
    %dma_start3A_98 = arith.constant 0 : i32
    %dma_start3A_99 = arith.constant 0 : i32
    %dma_start3A_100 = tpu.memref_slice %dma_start3A_97[%dma_start3A_98, %dma_start3A_99] : memref<256x64xf32, #tpu.memory_space<vmem>> -> memref<128x64xf32, #tpu.memory_space<vmem>>
    %dma_start3A_101 = arith.constant 0 : i32
    %dma_start3A_102 = tpu.memref_slice %arg5[%dma_start3A_92, %dma_start3A_101] : memref<200x128xi32, #tpu.memory_space<vmem>> -> memref<1x128xi32, #tpu.memory_space<vmem>>
    %dma_start3A_103 = tpu.memref_squeeze %dma_start3A_102 : memref<1x128xi32, #tpu.memory_space<vmem>> -> memref<128xi32, #tpu.memory_space<vmem>>
    %dma_start3A_104 = arith.constant 0 : i32
    %dma_start3A_105 = arith.constant 0 : i32
    %dma_start3A_106 = tpu.memref_slice %arg3[%dma_start3A_104, %dma_start3A_105] : memref<1000000x64xf32, #tpu.memory_space<hbm>> -> memref<1000000x64xf32, #tpu.memory_space<hbm>>
    tpu.enqueue_indirect_dma source(%dma_start3A_106 : memref<1000000x64xf32, #tpu.memory_space<hbm>>) target(%dma_start3A_100 : memref<128x64xf32, #tpu.memory_space<vmem>>) offsets(%dma_start3A_103 : memref<128xi32, #tpu.memory_space<vmem>>) semaphore(%arg10 : memref<!tpu.dma_semaphore, #tpu.memory_space<semaphore_mem>>)
    %dma_start3A_107 = arith.constant 7 : i32
    %dma_start3A_108 = arith.constant 3 : i32
    %dma_start3A_109 = arith.constant 0 : i32
    %dma_start3A_110 = arith.constant 0 : i32
    %dma_start3A_111 = tpu.memref_slice %arg6[%dma_start3A_108, %dma_start3A_109, %dma_start3A_110] : memref<4x256x64xf32, #tpu.memory_space<vmem>> -> memref<1x256x64xf32, #tpu.memory_space<vmem>>
    %dma_start3A_112 = tpu.memref_squeeze %dma_start3A_111 : memref<1x256x64xf32, #tpu.memory_space<vmem>> -> memref<256x64xf32, #tpu.memory_space<vmem>>
    %dma_start3A_113 = arith.constant 128 : i32
    %dma_start3A_114 = arith.constant 0 : i32
    %dma_start3A_115 = tpu.memref_slice %dma_start3A_112[%dma_start3A_113, %dma_start3A_114] : memref<256x64xf32, #tpu.memory_space<vmem>> -> memref<128x64xf32, #tpu.memory_space<vmem>>
    %dma_start3A_116 = arith.constant 0 : i32
    %dma_start3A_117 = tpu.memref_slice %arg5[%dma_start3A_107, %dma_start3A_116] : memref<200x128xi32, #tpu.memory_space<vmem>> -> memref<1x128xi32, #tpu.memory_space<vmem>>
    %dma_start3A_118 = tpu.memref_squeeze %dma_start3A_117 : memref<1x128xi32, #tpu.memory_space<vmem>> -> memref<128xi32, #tpu.memory_space<vmem>>
    %dma_start3A_119 = arith.constant 0 : i32
    %dma_start3A_120 = arith.constant 0 : i32
    %dma_start3A_121 = tpu.memref_slice %arg3[%dma_start3A_119, %dma_start3A_120] : memref<1000000x64xf32, #tpu.memory_space<hbm>> -> memref<1000000x64xf32, #tpu.memory_space<hbm>>
    tpu.enqueue_indirect_dma source(%dma_start3A_121 : memref<1000000x64xf32, #tpu.memory_space<hbm>>) target(%dma_start3A_115 : memref<128x64xf32, #tpu.memory_space<vmem>>) offsets(%dma_start3A_118 : memref<128xi32, #tpu.memory_space<vmem>>) semaphore(%arg10 : memref<!tpu.dma_semaphore, #tpu.memory_space<semaphore_mem>>)
    %scan3A = arith.constant 0 : i32
    %scan3A_122 = arith.constant 0 : i32
    %scan3A_123 = arith.constant 25 : i32
    %scan3A_124 = arith.addi %scan3A_122, %scan3A_123 : i32
    %scan3A_125 = arith.constant 1 : i32
    scf.for %scan3A_194 = %scan3A_122 to %scan3A_124 step %scan3A_125  : i32 {
      %mul3A_195 = arith.constant 4 : i32
      %mul3A_196 = arith.muli %mul3A_195, %scan3A_194 : i32
      %add3A_197 = arith.constant 0 : i32
      %add3A_198 = arith.addi %mul3A_196, %add3A_197 : i32
      %mul3A_199 = arith.constant 2 : i32
      %mul3A_200 = arith.muli %add3A_198, %mul3A_199 : i32
      %add3A_201 = arith.constant 0 : i32
      %add3A_202 = arith.addi %mul3A_200, %add3A_201 : i32
      %dma_wait3A_203 = arith.constant 0 : i32
      %dma_wait3A_204 = arith.constant 0 : i32
      %dma_wait3A_205 = arith.constant 0 : i32
      %dma_wait3A_206 = tpu.memref_slice %arg6[%dma_wait3A_203, %dma_wait3A_204, %dma_wait3A_205] : memref<4x256x64xf32, #tpu.memory_space<vmem>> -> memref<1x256x64xf32, #tpu.memory_space<vmem>>
      %dma_wait3A_207 = tpu.memref_squeeze %dma_wait3A_206 : memref<1x256x64xf32, #tpu.memory_space<vmem>> -> memref<256x64xf32, #tpu.memory_space<vmem>>
      %dma_wait3A_208 = arith.constant 0 : i32
      %dma_wait3A_209 = arith.constant 0 : i32
      %dma_wait3A_210 = tpu.memref_slice %dma_wait3A_207[%dma_wait3A_208, %dma_wait3A_209] : memref<256x64xf32, #tpu.memory_space<vmem>> -> memref<128x64xf32, #tpu.memory_space<vmem>>
      %dma_wait3A_211 = arith.constant 0 : i32
      %dma_wait3A_212 = tpu.memref_slice %arg5[%add3A_202, %dma_wait3A_211] : memref<200x128xi32, #tpu.memory_space<vmem>> -> memref<1x128xi32, #tpu.memory_space<vmem>>
      %dma_wait3A_213 = tpu.memref_squeeze %dma_wait3A_212 : memref<1x128xi32, #tpu.memory_space<vmem>> -> memref<128xi32, #tpu.memory_space<vmem>>
      %dma_wait3A_214 = arith.constant 0 : i32
      %dma_wait3A_215 = arith.constant 0 : i32
      %dma_wait3A_216 = tpu.memref_slice %arg3[%dma_wait3A_214, %dma_wait3A_215] : memref<1000000x64xf32, #tpu.memory_space<hbm>> -> memref<1000000x64xf32, #tpu.memory_space<hbm>>
      tpu.wait_indirect_dma semaphore(%arg7 : memref<!tpu.dma_semaphore, #tpu.memory_space<semaphore_mem>>) src(%dma_wait3A_216 : memref<1000000x64xf32, #tpu.memory_space<hbm>>) dst(%dma_wait3A_210 : memref<128x64xf32, #tpu.memory_space<vmem>>)
      %mul3A_217 = arith.constant 2 : i32
      %mul3A_218 = arith.muli %add3A_198, %mul3A_217 : i32
      %add3A_219 = arith.constant 1 : i32
      %add3A_220 = arith.addi %mul3A_218, %add3A_219 : i32
      %dma_wait3A_221 = arith.constant 0 : i32
      %dma_wait3A_222 = arith.constant 0 : i32
      %dma_wait3A_223 = arith.constant 0 : i32
      %dma_wait3A_224 = tpu.memref_slice %arg6[%dma_wait3A_221, %dma_wait3A_222, %dma_wait3A_223] : memref<4x256x64xf32, #tpu.memory_space<vmem>> -> memref<1x256x64xf32, #tpu.memory_space<vmem>>
      %dma_wait3A_225 = tpu.memref_squeeze %dma_wait3A_224 : memref<1x256x64xf32, #tpu.memory_space<vmem>> -> memref<256x64xf32, #tpu.memory_space<vmem>>
      %dma_wait3A_226 = arith.constant 128 : i32
      %dma_wait3A_227 = arith.constant 0 : i32
      %dma_wait3A_228 = tpu.memref_slice %dma_wait3A_225[%dma_wait3A_226, %dma_wait3A_227] : memref<256x64xf32, #tpu.memory_space<vmem>> -> memref<128x64xf32, #tpu.memory_space<vmem>>
      %dma_wait3A_229 = arith.constant 0 : i32
      %dma_wait3A_230 = tpu.memref_slice %arg5[%add3A_220, %dma_wait3A_229] : memref<200x128xi32, #tpu.memory_space<vmem>> -> memref<1x128xi32, #tpu.memory_space<vmem>>
      %dma_wait3A_231 = tpu.memref_squeeze %dma_wait3A_230 : memref<1x128xi32, #tpu.memory_space<vmem>> -> memref<128xi32, #tpu.memory_space<vmem>>
      %dma_wait3A_232 = arith.constant 0 : i32
      %dma_wait3A_233 = arith.constant 0 : i32
      %dma_wait3A_234 = tpu.memref_slice %arg3[%dma_wait3A_232, %dma_wait3A_233] : memref<1000000x64xf32, #tpu.memory_space<hbm>> -> memref<1000000x64xf32, #tpu.memory_space<hbm>>
      tpu.wait_indirect_dma semaphore(%arg7 : memref<!tpu.dma_semaphore, #tpu.memory_space<semaphore_mem>>) src(%dma_wait3A_234 : memref<1000000x64xf32, #tpu.memory_space<hbm>>) dst(%dma_wait3A_228 : memref<128x64xf32, #tpu.memory_space<vmem>>)
      %mul3A_235 = arith.constant 2 : i32
      %mul3A_236 = arith.muli %add3A_198, %mul3A_235 : i32
      %add3A_237 = arith.addi %mul3A_2, %mul3A_236 : i32
      %mul3A_238 = arith.constant 128 : i32
      %mul3A_239 = arith.muli %add3A_237, %mul3A_238 : i32
      %dma_start3A_240 = arith.constant 0 : i32
      %dma_start3A_241 = arith.constant 0 : i32
      %dma_start3A_242 = arith.constant 0 : i32
      %dma_start3A_243 = tpu.memref_slice %arg6[%dma_start3A_240, %dma_start3A_241, %dma_start3A_242] : memref<4x256x64xf32, #tpu.memory_space<vmem>> -> memref<1x256x64xf32, #tpu.memory_space<vmem>>
      %dma_start3A_244 = tpu.memref_squeeze %dma_start3A_243 : memref<1x256x64xf32, #tpu.memory_space<vmem>> -> memref<256x64xf32, #tpu.memory_space<vmem>>
      %dma_start3A_245 = arith.constant 0 : i32
      %dma_start3A_246 = tpu.memref_slice %arg4[%mul3A_239, %dma_start3A_245] : memref<819200x64xf32, #tpu.memory_space<hbm>> -> memref<256x64xf32, #tpu.memory_space<hbm>>
      %dma_start3A_247 = arith.constant 0 : i32
      %dma_start3A_248 = tpu.memref_slice %arg4[%mul3A_239, %dma_start3A_247] : memref<819200x64xf32, #tpu.memory_space<hbm>> -> memref<256x64xf32, #tpu.memory_space<hbm>>
      %dma_start3A_249 = arith.constant 0 : i32
      %dma_start3A_250 = arith.constant 0 : i32
      %dma_start3A_251 = tpu.memref_slice %arg6[%dma_start3A_240, %dma_start3A_249, %dma_start3A_250] : memref<4x256x64xf32, #tpu.memory_space<vmem>> -> memref<1x256x64xf32, #tpu.memory_space<vmem>>
      %dma_start3A_252 = tpu.memref_squeeze %dma_start3A_251 : memref<1x256x64xf32, #tpu.memory_space<vmem>> -> memref<256x64xf32, #tpu.memory_space<vmem>>
      tpu.enqueue_dma source(%dma_start3A_252 : memref<256x64xf32, #tpu.memory_space<vmem>>) target(%dma_start3A_248 : memref<256x64xf32, #tpu.memory_space<hbm>>) target_semaphore(%arg11 : memref<!tpu.dma_semaphore, #tpu.memory_space<semaphore_mem>>)
      %ge3A = arith.constant 2 : i32
      %ge3A_253 = arith.cmpi sge, %add3A_198, %ge3A : i32
      %add3A_254 = arith.constant 2 : i32
      %add3A_255 = arith.addi %add3A_198, %add3A_254 : i32
      %lt3A = arith.constant 100 : i32
      %lt3A_256 = arith.cmpi slt, %add3A_255, %lt3A : i32
      %and3A = arith.andi %ge3A_253, %lt3A_256 : i1
      %convert_element_type3A = arith.extui %and3A : i1 to i32
      %cond3A = arith.constant 0 : i32
      %cond3A_257 = arith.cmpi ne, %convert_element_type3A, %cond3A : i32
      scf.if %cond3A_257 {
        %sub3A = arith.constant 2 : i32
        %sub3A_462 = arith.subi %add3A_198, %sub3A : i32
        %mul3A_463 = arith.constant 2 : i32
        %mul3A_464 = arith.muli %sub3A_462, %mul3A_463 : i32
        %add3A_465 = arith.addi %mul3A_2, %mul3A_464 : i32
        %mul3A_466 = arith.constant 128 : i32
        %mul3A_467 = arith.muli %add3A_465, %mul3A_466 : i32
        %dma_wait3A_468 = arith.constant 2 : i32
        %dma_wait3A_469 = arith.constant 0 : i32
        %dma_wait3A_470 = arith.constant 0 : i32
        %dma_wait3A_471 = tpu.memref_slice %arg6[%dma_wait3A_468, %dma_wait3A_469, %dma_wait3A_470] : memref<4x256x64xf32, #tpu.memory_space<vmem>> -> memref<1x256x64xf32, #tpu.memory_space<vmem>>
        %dma_wait3A_472 = tpu.memref_squeeze %dma_wait3A_471 : memref<1x256x64xf32, #tpu.memory_space<vmem>> -> memref<256x64xf32, #tpu.memory_space<vmem>>
        %dma_wait3A_473 = arith.constant 0 : i32
        %dma_wait3A_474 = tpu.memref_slice %arg4[%mul3A_467, %dma_wait3A_473] : memref<819200x64xf32, #tpu.memory_space<hbm>> -> memref<256x64xf32, #tpu.memory_space<hbm>>
        %dma_wait3A_475 = arith.constant 0 : i32
        %dma_wait3A_476 = tpu.memref_slice %arg4[%mul3A_467, %dma_wait3A_475] : memref<819200x64xf32, #tpu.memory_space<hbm>> -> memref<256x64xf32, #tpu.memory_space<hbm>>
        %dma_wait3A_477 = arith.constant 0 : i32
        %dma_wait3A_478 = arith.constant 0 : i32
        %dma_wait3A_479 = tpu.memref_slice %arg6[%dma_wait3A_468, %dma_wait3A_477, %dma_wait3A_478] : memref<4x256x64xf32, #tpu.memory_space<vmem>> -> memref<1x256x64xf32, #tpu.memory_space<vmem>>
        %dma_wait3A_480 = tpu.memref_squeeze %dma_wait3A_479 : memref<1x256x64xf32, #tpu.memory_space<vmem>> -> memref<256x64xf32, #tpu.memory_space<vmem>>
        tpu.wait_dma2 semaphore(%arg13 : memref<!tpu.dma_semaphore, #tpu.memory_space<semaphore_mem>>) src(%dma_wait3A_480 : memref<256x64xf32, #tpu.memory_space<vmem>>) dst(%dma_wait3A_476 : memref<256x64xf32, #tpu.memory_space<hbm>>)
        %add3A_481 = arith.constant 2 : i32
        %add3A_482 = arith.addi %add3A_198, %add3A_481 : i32
        %mul3A_483 = arith.constant 2 : i32
        %mul3A_484 = arith.muli %add3A_482, %mul3A_483 : i32
        %add3A_485 = arith.constant 0 : i32
        %add3A_486 = arith.addi %mul3A_484, %add3A_485 : i32
        %dma_start3A_487 = arith.constant 2 : i32
        %dma_start3A_488 = arith.constant 0 : i32
        %dma_start3A_489 = arith.constant 0 : i32
        %dma_start3A_490 = tpu.memref_slice %arg6[%dma_start3A_487, %dma_start3A_488, %dma_start3A_489] : memref<4x256x64xf32, #tpu.memory_space<vmem>> -> memref<1x256x64xf32, #tpu.memory_space<vmem>>
        %dma_start3A_491 = tpu.memref_squeeze %dma_start3A_490 : memref<1x256x64xf32, #tpu.memory_space<vmem>> -> memref<256x64xf32, #tpu.memory_space<vmem>>
        %dma_start3A_492 = arith.constant 0 : i32
        %dma_start3A_493 = arith.constant 0 : i32
        %dma_start3A_494 = tpu.memref_slice %dma_start3A_491[%dma_start3A_492, %dma_start3A_493] : memref<256x64xf32, #tpu.memory_space<vmem>> -> memref<128x64xf32, #tpu.memory_space<vmem>>
        %dma_start3A_495 = arith.constant 0 : i32
        %dma_start3A_496 = tpu.memref_slice %arg5[%add3A_486, %dma_start3A_495] : memref<200x128xi32, #tpu.memory_space<vmem>> -> memref<1x128xi32, #tpu.memory_space<vmem>>
        %dma_start3A_497 = tpu.memref_squeeze %dma_start3A_496 : memref<1x128xi32, #tpu.memory_space<vmem>> -> memref<128xi32, #tpu.memory_space<vmem>>
        %dma_start3A_498 = arith.constant 0 : i32
        %dma_start3A_499 = arith.constant 0 : i32
        %dma_start3A_500 = tpu.memref_slice %arg3[%dma_start3A_498, %dma_start3A_499] : memref<1000000x64xf32, #tpu.memory_space<hbm>> -> memref<1000000x64xf32, #tpu.memory_space<hbm>>
        tpu.enqueue_indirect_dma source(%dma_start3A_500 : memref<1000000x64xf32, #tpu.memory_space<hbm>>) target(%dma_start3A_494 : memref<128x64xf32, #tpu.memory_space<vmem>>) offsets(%dma_start3A_497 : memref<128xi32, #tpu.memory_space<vmem>>) semaphore(%arg9 : memref<!tpu.dma_semaphore, #tpu.memory_space<semaphore_mem>>)
        %mul3A_501 = arith.constant 2 : i32
        %mul3A_502 = arith.muli %add3A_482, %mul3A_501 : i32
        %add3A_503 = arith.constant 1 : i32
        %add3A_504 = arith.addi %mul3A_502, %add3A_503 : i32
        %dma_start3A_505 = arith.constant 2 : i32
        %dma_start3A_506 = arith.constant 0 : i32
        %dma_start3A_507 = arith.constant 0 : i32
        %dma_start3A_508 = tpu.memref_slice %arg6[%dma_start3A_505, %dma_start3A_506, %dma_start3A_507] : memref<4x256x64xf32, #tpu.memory_space<vmem>> -> memref<1x256x64xf32, #tpu.memory_space<vmem>>
        %dma_start3A_509 = tpu.memref_squeeze %dma_start3A_508 : memref<1x256x64xf32, #tpu.memory_space<vmem>> -> memref<256x64xf32, #tpu.memory_space<vmem>>
        %dma_start3A_510 = arith.constant 128 : i32
        %dma_start3A_511 = arith.constant 0 : i32
        %dma_start3A_512 = tpu.memref_slice %dma_start3A_509[%dma_start3A_510, %dma_start3A_511] : memref<256x64xf32, #tpu.memory_space<vmem>> -> memref<128x64xf32, #tpu.memory_space<vmem>>
        %dma_start3A_513 = arith.constant 0 : i32
        %dma_start3A_514 = tpu.memref_slice %arg5[%add3A_504, %dma_start3A_513] : memref<200x128xi32, #tpu.memory_space<vmem>> -> memref<1x128xi32, #tpu.memory_space<vmem>>
        %dma_start3A_515 = tpu.memref_squeeze %dma_start3A_514 : memref<1x128xi32, #tpu.memory_space<vmem>> -> memref<128xi32, #tpu.memory_space<vmem>>
        %dma_start3A_516 = arith.constant 0 : i32
        %dma_start3A_517 = arith.constant 0 : i32
        %dma_start3A_518 = tpu.memref_slice %arg3[%dma_start3A_516, %dma_start3A_517] : memref<1000000x64xf32, #tpu.memory_space<hbm>> -> memref<1000000x64xf32, #tpu.memory_space<hbm>>
        tpu.enqueue_indirect_dma source(%dma_start3A_518 : memref<1000000x64xf32, #tpu.memory_space<hbm>>) target(%dma_start3A_512 : memref<128x64xf32, #tpu.memory_space<vmem>>) offsets(%dma_start3A_515 : memref<128xi32, #tpu.memory_space<vmem>>) semaphore(%arg9 : memref<!tpu.dma_semaphore, #tpu.memory_space<semaphore_mem>>)
      } else {
      }
      %mul3A_258 = arith.constant 4 : i32
      %mul3A_259 = arith.muli %mul3A_258, %scan3A_194 : i32
      %add3A_260 = arith.constant 1 : i32
      %add3A_261 = arith.addi %mul3A_259, %add3A_260 : i32
      %mul3A_262 = arith.constant 2 : i32
      %mul3A_263 = arith.muli %add3A_261, %mul3A_262 : i32
      %add3A_264 = arith.constant 0 : i32
      %add3A_265 = arith.addi %mul3A_263, %add3A_264 : i32
      %dma_wait3A_266 = arith.constant 1 : i32
      %dma_wait3A_267 = arith.constant 0 : i32
      %dma_wait3A_268 = arith.constant 0 : i32
      %dma_wait3A_269 = tpu.memref_slice %arg6[%dma_wait3A_266, %dma_wait3A_267, %dma_wait3A_268] : memref<4x256x64xf32, #tpu.memory_space<vmem>> -> memref<1x256x64xf32, #tpu.memory_space<vmem>>
      %dma_wait3A_270 = tpu.memref_squeeze %dma_wait3A_269 : memref<1x256x64xf32, #tpu.memory_space<vmem>> -> memref<256x64xf32, #tpu.memory_space<vmem>>
      %dma_wait3A_271 = arith.constant 0 : i32
      %dma_wait3A_272 = arith.constant 0 : i32
      %dma_wait3A_273 = tpu.memref_slice %dma_wait3A_270[%dma_wait3A_271, %dma_wait3A_272] : memref<256x64xf32, #tpu.memory_space<vmem>> -> memref<128x64xf32, #tpu.memory_space<vmem>>
      %dma_wait3A_274 = arith.constant 0 : i32
      %dma_wait3A_275 = tpu.memref_slice %arg5[%add3A_265, %dma_wait3A_274] : memref<200x128xi32, #tpu.memory_space<vmem>> -> memref<1x128xi32, #tpu.memory_space<vmem>>
      %dma_wait3A_276 = tpu.memref_squeeze %dma_wait3A_275 : memref<1x128xi32, #tpu.memory_space<vmem>> -> memref<128xi32, #tpu.memory_space<vmem>>
      %dma_wait3A_277 = arith.constant 0 : i32
      %dma_wait3A_278 = arith.constant 0 : i32
      %dma_wait3A_279 = tpu.memref_slice %arg3[%dma_wait3A_277, %dma_wait3A_278] : memref<1000000x64xf32, #tpu.memory_space<hbm>> -> memref<1000000x64xf32, #tpu.memory_space<hbm>>
      tpu.wait_indirect_dma semaphore(%arg8 : memref<!tpu.dma_semaphore, #tpu.memory_space<semaphore_mem>>) src(%dma_wait3A_279 : memref<1000000x64xf32, #tpu.memory_space<hbm>>) dst(%dma_wait3A_273 : memref<128x64xf32, #tpu.memory_space<vmem>>)
      %mul3A_280 = arith.constant 2 : i32
      %mul3A_281 = arith.muli %add3A_261, %mul3A_280 : i32
      %add3A_282 = arith.constant 1 : i32
      %add3A_283 = arith.addi %mul3A_281, %add3A_282 : i32
      %dma_wait3A_284 = arith.constant 1 : i32
      %dma_wait3A_285 = arith.constant 0 : i32
      %dma_wait3A_286 = arith.constant 0 : i32
      %dma_wait3A_287 = tpu.memref_slice %arg6[%dma_wait3A_284, %dma_wait3A_285, %dma_wait3A_286] : memref<4x256x64xf32, #tpu.memory_space<vmem>> -> memref<1x256x64xf32, #tpu.memory_space<vmem>>
      %dma_wait3A_288 = tpu.memref_squeeze %dma_wait3A_287 : memref<1x256x64xf32, #tpu.memory_space<vmem>> -> memref<256x64xf32, #tpu.memory_space<vmem>>
      %dma_wait3A_289 = arith.constant 128 : i32
      %dma_wait3A_290 = arith.constant 0 : i32
      %dma_wait3A_291 = tpu.memref_slice %dma_wait3A_288[%dma_wait3A_289, %dma_wait3A_290] : memref<256x64xf32, #tpu.memory_space<vmem>> -> memref<128x64xf32, #tpu.memory_space<vmem>>
      %dma_wait3A_292 = arith.constant 0 : i32
      %dma_wait3A_293 = tpu.memref_slice %arg5[%add3A_283, %dma_wait3A_292] : memref<200x128xi32, #tpu.memory_space<vmem>> -> memref<1x128xi32, #tpu.memory_space<vmem>>
      %dma_wait3A_294 = tpu.memref_squeeze %dma_wait3A_293 : memref<1x128xi32, #tpu.memory_space<vmem>> -> memref<128xi32, #tpu.memory_space<vmem>>
      %dma_wait3A_295 = arith.constant 0 : i32
      %dma_wait3A_296 = arith.constant 0 : i32
      %dma_wait3A_297 = tpu.memref_slice %arg3[%dma_wait3A_295, %dma_wait3A_296] : memref<1000000x64xf32, #tpu.memory_space<hbm>> -> memref<1000000x64xf32, #tpu.memory_space<hbm>>
      tpu.wait_indirect_dma semaphore(%arg8 : memref<!tpu.dma_semaphore, #tpu.memory_space<semaphore_mem>>) src(%dma_wait3A_297 : memref<1000000x64xf32, #tpu.memory_space<hbm>>) dst(%dma_wait3A_291 : memref<128x64xf32, #tpu.memory_space<vmem>>)
      %mul3A_298 = arith.constant 2 : i32
      %mul3A_299 = arith.muli %add3A_261, %mul3A_298 : i32
      %add3A_300 = arith.addi %mul3A_2, %mul3A_299 : i32
      %mul3A_301 = arith.constant 128 : i32
      %mul3A_302 = arith.muli %add3A_300, %mul3A_301 : i32
      %dma_start3A_303 = arith.constant 1 : i32
      %dma_start3A_304 = arith.constant 0 : i32
      %dma_start3A_305 = arith.constant 0 : i32
      %dma_start3A_306 = tpu.memref_slice %arg6[%dma_start3A_303, %dma_start3A_304, %dma_start3A_305] : memref<4x256x64xf32, #tpu.memory_space<vmem>> -> memref<1x256x64xf32, #tpu.memory_space<vmem>>
      %dma_start3A_307 = tpu.memref_squeeze %dma_start3A_306 : memref<1x256x64xf32, #tpu.memory_space<vmem>> -> memref<256x64xf32, #tpu.memory_space<vmem>>
      %dma_start3A_308 = arith.constant 0 : i32
      %dma_start3A_309 = tpu.memref_slice %arg4[%mul3A_302, %dma_start3A_308] : memref<819200x64xf32, #tpu.memory_space<hbm>> -> memref<256x64xf32, #tpu.memory_space<hbm>>
      %dma_start3A_310 = arith.constant 0 : i32
      %dma_start3A_311 = tpu.memref_slice %arg4[%mul3A_302, %dma_start3A_310] : memref<819200x64xf32, #tpu.memory_space<hbm>> -> memref<256x64xf32, #tpu.memory_space<hbm>>
      %dma_start3A_312 = arith.constant 0 : i32
      %dma_start3A_313 = arith.constant 0 : i32
      %dma_start3A_314 = tpu.memref_slice %arg6[%dma_start3A_303, %dma_start3A_312, %dma_start3A_313] : memref<4x256x64xf32, #tpu.memory_space<vmem>> -> memref<1x256x64xf32, #tpu.memory_space<vmem>>
      %dma_start3A_315 = tpu.memref_squeeze %dma_start3A_314 : memref<1x256x64xf32, #tpu.memory_space<vmem>> -> memref<256x64xf32, #tpu.memory_space<vmem>>
      tpu.enqueue_dma source(%dma_start3A_315 : memref<256x64xf32, #tpu.memory_space<vmem>>) target(%dma_start3A_311 : memref<256x64xf32, #tpu.memory_space<hbm>>) target_semaphore(%arg12 : memref<!tpu.dma_semaphore, #tpu.memory_space<semaphore_mem>>)
      %ge3A_316 = arith.constant 2 : i32
      %ge3A_317 = arith.cmpi sge, %add3A_261, %ge3A_316 : i32
      %add3A_318 = arith.constant 2 : i32
      %add3A_319 = arith.addi %add3A_261, %add3A_318 : i32
      %lt3A_320 = arith.constant 100 : i32
      %lt3A_321 = arith.cmpi slt, %add3A_319, %lt3A_320 : i32
      %and3A_322 = arith.andi %ge3A_317, %lt3A_321 : i1
      %convert_element_type3A_323 = arith.extui %and3A_322 : i1 to i32
      %cond3A_324 = arith.constant 0 : i32
      %cond3A_325 = arith.cmpi ne, %convert_element_type3A_323, %cond3A_324 : i32
      scf.if %cond3A_325 {
        %sub3A = arith.constant 2 : i32
        %sub3A_462 = arith.subi %add3A_261, %sub3A : i32
        %mul3A_463 = arith.constant 2 : i32
        %mul3A_464 = arith.muli %sub3A_462, %mul3A_463 : i32
        %add3A_465 = arith.addi %mul3A_2, %mul3A_464 : i32
        %mul3A_466 = arith.constant 128 : i32
        %mul3A_467 = arith.muli %add3A_465, %mul3A_466 : i32
        %dma_wait3A_468 = arith.constant 3 : i32
        %dma_wait3A_469 = arith.constant 0 : i32
        %dma_wait3A_470 = arith.constant 0 : i32
        %dma_wait3A_471 = tpu.memref_slice %arg6[%dma_wait3A_468, %dma_wait3A_469, %dma_wait3A_470] : memref<4x256x64xf32, #tpu.memory_space<vmem>> -> memref<1x256x64xf32, #tpu.memory_space<vmem>>
        %dma_wait3A_472 = tpu.memref_squeeze %dma_wait3A_471 : memref<1x256x64xf32, #tpu.memory_space<vmem>> -> memref<256x64xf32, #tpu.memory_space<vmem>>
        %dma_wait3A_473 = arith.constant 0 : i32
        %dma_wait3A_474 = tpu.memref_slice %arg4[%mul3A_467, %dma_wait3A_473] : memref<819200x64xf32, #tpu.memory_space<hbm>> -> memref<256x64xf32, #tpu.memory_space<hbm>>
        %dma_wait3A_475 = arith.constant 0 : i32
        %dma_wait3A_476 = tpu.memref_slice %arg4[%mul3A_467, %dma_wait3A_475] : memref<819200x64xf32, #tpu.memory_space<hbm>> -> memref<256x64xf32, #tpu.memory_space<hbm>>
        %dma_wait3A_477 = arith.constant 0 : i32
        %dma_wait3A_478 = arith.constant 0 : i32
        %dma_wait3A_479 = tpu.memref_slice %arg6[%dma_wait3A_468, %dma_wait3A_477, %dma_wait3A_478] : memref<4x256x64xf32, #tpu.memory_space<vmem>> -> memref<1x256x64xf32, #tpu.memory_space<vmem>>
        %dma_wait3A_480 = tpu.memref_squeeze %dma_wait3A_479 : memref<1x256x64xf32, #tpu.memory_space<vmem>> -> memref<256x64xf32, #tpu.memory_space<vmem>>
        tpu.wait_dma2 semaphore(%arg14 : memref<!tpu.dma_semaphore, #tpu.memory_space<semaphore_mem>>) src(%dma_wait3A_480 : memref<256x64xf32, #tpu.memory_space<vmem>>) dst(%dma_wait3A_476 : memref<256x64xf32, #tpu.memory_space<hbm>>)
        %add3A_481 = arith.constant 2 : i32
        %add3A_482 = arith.addi %add3A_261, %add3A_481 : i32
        %mul3A_483 = arith.constant 2 : i32
        %mul3A_484 = arith.muli %add3A_482, %mul3A_483 : i32
        %add3A_485 = arith.constant 0 : i32
        %add3A_486 = arith.addi %mul3A_484, %add3A_485 : i32
        %dma_start3A_487 = arith.constant 3 : i32
        %dma_start3A_488 = arith.constant 0 : i32
        %dma_start3A_489 = arith.constant 0 : i32
        %dma_start3A_490 = tpu.memref_slice %arg6[%dma_start3A_487, %dma_start3A_488, %dma_start3A_489] : memref<4x256x64xf32, #tpu.memory_space<vmem>> -> memref<1x256x64xf32, #tpu.memory_space<vmem>>
        %dma_start3A_491 = tpu.memref_squeeze %dma_start3A_490 : memref<1x256x64xf32, #tpu.memory_space<vmem>> -> memref<256x64xf32, #tpu.memory_space<vmem>>
        %dma_start3A_492 = arith.constant 0 : i32
        %dma_start3A_493 = arith.constant 0 : i32
        %dma_start3A_494 = tpu.memref_slice %dma_start3A_491[%dma_start3A_492, %dma_start3A_493] : memref<256x64xf32, #tpu.memory_space<vmem>> -> memref<128x64xf32, #tpu.memory_space<vmem>>
        %dma_start3A_495 = arith.constant 0 : i32
        %dma_start3A_496 = tpu.memref_slice %arg5[%add3A_486, %dma_start3A_495] : memref<200x128xi32, #tpu.memory_space<vmem>> -> memref<1x128xi32, #tpu.memory_space<vmem>>
        %dma_start3A_497 = tpu.memref_squeeze %dma_start3A_496 : memref<1x128xi32, #tpu.memory_space<vmem>> -> memref<128xi32, #tpu.memory_space<vmem>>
        %dma_start3A_498 = arith.constant 0 : i32
        %dma_start3A_499 = arith.constant 0 : i32
        %dma_start3A_500 = tpu.memref_slice %arg3[%dma_start3A_498, %dma_start3A_499] : memref<1000000x64xf32, #tpu.memory_space<hbm>> -> memref<1000000x64xf32, #tpu.memory_space<hbm>>
        tpu.enqueue_indirect_dma source(%dma_start3A_500 : memref<1000000x64xf32, #tpu.memory_space<hbm>>) target(%dma_start3A_494 : memref<128x64xf32, #tpu.memory_space<vmem>>) offsets(%dma_start3A_497 : memref<128xi32, #tpu.memory_space<vmem>>) semaphore(%arg10 : memref<!tpu.dma_semaphore, #tpu.memory_space<semaphore_mem>>)
        %mul3A_501 = arith.constant 2 : i32
        %mul3A_502 = arith.muli %add3A_482, %mul3A_501 : i32
        %add3A_503 = arith.constant 1 : i32
        %add3A_504 = arith.addi %mul3A_502, %add3A_503 : i32
        %dma_start3A_505 = arith.constant 3 : i32
        %dma_start3A_506 = arith.constant 0 : i32
        %dma_start3A_507 = arith.constant 0 : i32
        %dma_start3A_508 = tpu.memref_slice %arg6[%dma_start3A_505, %dma_start3A_506, %dma_start3A_507] : memref<4x256x64xf32, #tpu.memory_space<vmem>> -> memref<1x256x64xf32, #tpu.memory_space<vmem>>
        %dma_start3A_509 = tpu.memref_squeeze %dma_start3A_508 : memref<1x256x64xf32, #tpu.memory_space<vmem>> -> memref<256x64xf32, #tpu.memory_space<vmem>>
        %dma_start3A_510 = arith.constant 128 : i32
        %dma_start3A_511 = arith.constant 0 : i32
        %dma_start3A_512 = tpu.memref_slice %dma_start3A_509[%dma_start3A_510, %dma_start3A_511] : memref<256x64xf32, #tpu.memory_space<vmem>> -> memref<128x64xf32, #tpu.memory_space<vmem>>
        %dma_start3A_513 = arith.constant 0 : i32
        %dma_start3A_514 = tpu.memref_slice %arg5[%add3A_504, %dma_start3A_513] : memref<200x128xi32, #tpu.memory_space<vmem>> -> memref<1x128xi32, #tpu.memory_space<vmem>>
        %dma_start3A_515 = tpu.memref_squeeze %dma_start3A_514 : memref<1x128xi32, #tpu.memory_space<vmem>> -> memref<128xi32, #tpu.memory_space<vmem>>
        %dma_start3A_516 = arith.constant 0 : i32
        %dma_start3A_517 = arith.constant 0 : i32
        %dma_start3A_518 = tpu.memref_slice %arg3[%dma_start3A_516, %dma_start3A_517] : memref<1000000x64xf32, #tpu.memory_space<hbm>> -> memref<1000000x64xf32, #tpu.memory_space<hbm>>
        tpu.enqueue_indirect_dma source(%dma_start3A_518 : memref<1000000x64xf32, #tpu.memory_space<hbm>>) target(%dma_start3A_512 : memref<128x64xf32, #tpu.memory_space<vmem>>) offsets(%dma_start3A_515 : memref<128xi32, #tpu.memory_space<vmem>>) semaphore(%arg10 : memref<!tpu.dma_semaphore, #tpu.memory_space<semaphore_mem>>)
      } else {
      }
      %mul3A_326 = arith.constant 4 : i32
      %mul3A_327 = arith.muli %mul3A_326, %scan3A_194 : i32
      %add3A_328 = arith.constant 2 : i32
      %add3A_329 = arith.addi %mul3A_327, %add3A_328 : i32
      %mul3A_330 = arith.constant 2 : i32
      %mul3A_331 = arith.muli %add3A_329, %mul3A_330 : i32
      %add3A_332 = arith.constant 0 : i32
      %add3A_333 = arith.addi %mul3A_331, %add3A_332 : i32
      %dma_wait3A_334 = arith.constant 2 : i32
      %dma_wait3A_335 = arith.constant 0 : i32
      %dma_wait3A_336 = arith.constant 0 : i32
      %dma_wait3A_337 = tpu.memref_slice %arg6[%dma_wait3A_334, %dma_wait3A_335, %dma_wait3A_336] : memref<4x256x64xf32, #tpu.memory_space<vmem>> -> memref<1x256x64xf32, #tpu.memory_space<vmem>>
      %dma_wait3A_338 = tpu.memref_squeeze %dma_wait3A_337 : memref<1x256x64xf32, #tpu.memory_space<vmem>> -> memref<256x64xf32, #tpu.memory_space<vmem>>
      %dma_wait3A_339 = arith.constant 0 : i32
      %dma_wait3A_340 = arith.constant 0 : i32
      %dma_wait3A_341 = tpu.memref_slice %dma_wait3A_338[%dma_wait3A_339, %dma_wait3A_340] : memref<256x64xf32, #tpu.memory_space<vmem>> -> memref<128x64xf32, #tpu.memory_space<vmem>>
      %dma_wait3A_342 = arith.constant 0 : i32
      %dma_wait3A_343 = tpu.memref_slice %arg5[%add3A_333, %dma_wait3A_342] : memref<200x128xi32, #tpu.memory_space<vmem>> -> memref<1x128xi32, #tpu.memory_space<vmem>>
      %dma_wait3A_344 = tpu.memref_squeeze %dma_wait3A_343 : memref<1x128xi32, #tpu.memory_space<vmem>> -> memref<128xi32, #tpu.memory_space<vmem>>
      %dma_wait3A_345 = arith.constant 0 : i32
      %dma_wait3A_346 = arith.constant 0 : i32
      %dma_wait3A_347 = tpu.memref_slice %arg3[%dma_wait3A_345, %dma_wait3A_346] : memref<1000000x64xf32, #tpu.memory_space<hbm>> -> memref<1000000x64xf32, #tpu.memory_space<hbm>>
      tpu.wait_indirect_dma semaphore(%arg9 : memref<!tpu.dma_semaphore, #tpu.memory_space<semaphore_mem>>) src(%dma_wait3A_347 : memref<1000000x64xf32, #tpu.memory_space<hbm>>) dst(%dma_wait3A_341 : memref<128x64xf32, #tpu.memory_space<vmem>>)
      %mul3A_348 = arith.constant 2 : i32
      %mul3A_349 = arith.muli %add3A_329, %mul3A_348 : i32
      %add3A_350 = arith.constant 1 : i32
      %add3A_351 = arith.addi %mul3A_349, %add3A_350 : i32
      %dma_wait3A_352 = arith.constant 2 : i32
      %dma_wait3A_353 = arith.constant 0 : i32
      %dma_wait3A_354 = arith.constant 0 : i32
      %dma_wait3A_355 = tpu.memref_slice %arg6[%dma_wait3A_352, %dma_wait3A_353, %dma_wait3A_354] : memref<4x256x64xf32, #tpu.memory_space<vmem>> -> memref<1x256x64xf32, #tpu.memory_space<vmem>>
      %dma_wait3A_356 = tpu.memref_squeeze %dma_wait3A_355 : memref<1x256x64xf32, #tpu.memory_space<vmem>> -> memref<256x64xf32, #tpu.memory_space<vmem>>
      %dma_wait3A_357 = arith.constant 128 : i32
      %dma_wait3A_358 = arith.constant 0 : i32
      %dma_wait3A_359 = tpu.memref_slice %dma_wait3A_356[%dma_wait3A_357, %dma_wait3A_358] : memref<256x64xf32, #tpu.memory_space<vmem>> -> memref<128x64xf32, #tpu.memory_space<vmem>>
      %dma_wait3A_360 = arith.constant 0 : i32
      %dma_wait3A_361 = tpu.memref_slice %arg5[%add3A_351, %dma_wait3A_360] : memref<200x128xi32, #tpu.memory_space<vmem>> -> memref<1x128xi32, #tpu.memory_space<vmem>>
      %dma_wait3A_362 = tpu.memref_squeeze %dma_wait3A_361 : memref<1x128xi32, #tpu.memory_space<vmem>> -> memref<128xi32, #tpu.memory_space<vmem>>
      %dma_wait3A_363 = arith.constant 0 : i32
      %dma_wait3A_364 = arith.constant 0 : i32
      %dma_wait3A_365 = tpu.memref_slice %arg3[%dma_wait3A_363, %dma_wait3A_364] : memref<1000000x64xf32, #tpu.memory_space<hbm>> -> memref<1000000x64xf32, #tpu.memory_space<hbm>>
      tpu.wait_indirect_dma semaphore(%arg9 : memref<!tpu.dma_semaphore, #tpu.memory_space<semaphore_mem>>) src(%dma_wait3A_365 : memref<1000000x64xf32, #tpu.memory_space<hbm>>) dst(%dma_wait3A_359 : memref<128x64xf32, #tpu.memory_space<vmem>>)
      %mul3A_366 = arith.constant 2 : i32
      %mul3A_367 = arith.muli %add3A_329, %mul3A_366 : i32
      %add3A_368 = arith.addi %mul3A_2, %mul3A_367 : i32
      %mul3A_369 = arith.constant 128 : i32
      %mul3A_370 = arith.muli %add3A_368, %mul3A_369 : i32
      %dma_start3A_371 = arith.constant 2 : i32
      %dma_start3A_372 = arith.constant 0 : i32
      %dma_start3A_373 = arith.constant 0 : i32
      %dma_start3A_374 = tpu.memref_slice %arg6[%dma_start3A_371, %dma_start3A_372, %dma_start3A_373] : memref<4x256x64xf32, #tpu.memory_space<vmem>> -> memref<1x256x64xf32, #tpu.memory_space<vmem>>
      %dma_start3A_375 = tpu.memref_squeeze %dma_start3A_374 : memref<1x256x64xf32, #tpu.memory_space<vmem>> -> memref<256x64xf32, #tpu.memory_space<vmem>>
      %dma_start3A_376 = arith.constant 0 : i32
      %dma_start3A_377 = tpu.memref_slice %arg4[%mul3A_370, %dma_start3A_376] : memref<819200x64xf32, #tpu.memory_space<hbm>> -> memref<256x64xf32, #tpu.memory_space<hbm>>
      %dma_start3A_378 = arith.constant 0 : i32
      %dma_start3A_379 = tpu.memref_slice %arg4[%mul3A_370, %dma_start3A_378] : memref<819200x64xf32, #tpu.memory_space<hbm>> -> memref<256x64xf32, #tpu.memory_space<hbm>>
      %dma_start3A_380 = arith.constant 0 : i32
      %dma_start3A_381 = arith.constant 0 : i32
      %dma_start3A_382 = tpu.memref_slice %arg6[%dma_start3A_371, %dma_start3A_380, %dma_start3A_381] : memref<4x256x64xf32, #tpu.memory_space<vmem>> -> memref<1x256x64xf32, #tpu.memory_space<vmem>>
      %dma_start3A_383 = tpu.memref_squeeze %dma_start3A_382 : memref<1x256x64xf32, #tpu.memory_space<vmem>> -> memref<256x64xf32, #tpu.memory_space<vmem>>
      tpu.enqueue_dma source(%dma_start3A_383 : memref<256x64xf32, #tpu.memory_space<vmem>>) target(%dma_start3A_379 : memref<256x64xf32, #tpu.memory_space<hbm>>) target_semaphore(%arg13 : memref<!tpu.dma_semaphore, #tpu.memory_space<semaphore_mem>>)
      %ge3A_384 = arith.constant 2 : i32
      %ge3A_385 = arith.cmpi sge, %add3A_329, %ge3A_384 : i32
      %add3A_386 = arith.constant 2 : i32
      %add3A_387 = arith.addi %add3A_329, %add3A_386 : i32
      %lt3A_388 = arith.constant 100 : i32
      %lt3A_389 = arith.cmpi slt, %add3A_387, %lt3A_388 : i32
      %and3A_390 = arith.andi %ge3A_385, %lt3A_389 : i1
      %convert_element_type3A_391 = arith.extui %and3A_390 : i1 to i32
      %cond3A_392 = arith.constant 0 : i32
      %cond3A_393 = arith.cmpi ne, %convert_element_type3A_391, %cond3A_392 : i32
      scf.if %cond3A_393 {
        %sub3A = arith.constant 2 : i32
        %sub3A_462 = arith.subi %add3A_329, %sub3A : i32
        %mul3A_463 = arith.constant 2 : i32
        %mul3A_464 = arith.muli %sub3A_462, %mul3A_463 : i32
        %add3A_465 = arith.addi %mul3A_2, %mul3A_464 : i32
        %mul3A_466 = arith.constant 128 : i32
        %mul3A_467 = arith.muli %add3A_465, %mul3A_466 : i32
        %dma_wait3A_468 = arith.constant 0 : i32
        %dma_wait3A_469 = arith.constant 0 : i32
        %dma_wait3A_470 = arith.constant 0 : i32
        %dma_wait3A_471 = tpu.memref_slice %arg6[%dma_wait3A_468, %dma_wait3A_469, %dma_wait3A_470] : memref<4x256x64xf32, #tpu.memory_space<vmem>> -> memref<1x256x64xf32, #tpu.memory_space<vmem>>
        %dma_wait3A_472 = tpu.memref_squeeze %dma_wait3A_471 : memref<1x256x64xf32, #tpu.memory_space<vmem>> -> memref<256x64xf32, #tpu.memory_space<vmem>>
        %dma_wait3A_473 = arith.constant 0 : i32
        %dma_wait3A_474 = tpu.memref_slice %arg4[%mul3A_467, %dma_wait3A_473] : memref<819200x64xf32, #tpu.memory_space<hbm>> -> memref<256x64xf32, #tpu.memory_space<hbm>>
        %dma_wait3A_475 = arith.constant 0 : i32
        %dma_wait3A_476 = tpu.memref_slice %arg4[%mul3A_467, %dma_wait3A_475] : memref<819200x64xf32, #tpu.memory_space<hbm>> -> memref<256x64xf32, #tpu.memory_space<hbm>>
        %dma_wait3A_477 = arith.constant 0 : i32
        %dma_wait3A_478 = arith.constant 0 : i32
        %dma_wait3A_479 = tpu.memref_slice %arg6[%dma_wait3A_468, %dma_wait3A_477, %dma_wait3A_478] : memref<4x256x64xf32, #tpu.memory_space<vmem>> -> memref<1x256x64xf32, #tpu.memory_space<vmem>>
        %dma_wait3A_480 = tpu.memref_squeeze %dma_wait3A_479 : memref<1x256x64xf32, #tpu.memory_space<vmem>> -> memref<256x64xf32, #tpu.memory_space<vmem>>
        tpu.wait_dma2 semaphore(%arg11 : memref<!tpu.dma_semaphore, #tpu.memory_space<semaphore_mem>>) src(%dma_wait3A_480 : memref<256x64xf32, #tpu.memory_space<vmem>>) dst(%dma_wait3A_476 : memref<256x64xf32, #tpu.memory_space<hbm>>)
        %add3A_481 = arith.constant 2 : i32
        %add3A_482 = arith.addi %add3A_329, %add3A_481 : i32
        %mul3A_483 = arith.constant 2 : i32
        %mul3A_484 = arith.muli %add3A_482, %mul3A_483 : i32
        %add3A_485 = arith.constant 0 : i32
        %add3A_486 = arith.addi %mul3A_484, %add3A_485 : i32
        %dma_start3A_487 = arith.constant 0 : i32
        %dma_start3A_488 = arith.constant 0 : i32
        %dma_start3A_489 = arith.constant 0 : i32
        %dma_start3A_490 = tpu.memref_slice %arg6[%dma_start3A_487, %dma_start3A_488, %dma_start3A_489] : memref<4x256x64xf32, #tpu.memory_space<vmem>> -> memref<1x256x64xf32, #tpu.memory_space<vmem>>
        %dma_start3A_491 = tpu.memref_squeeze %dma_start3A_490 : memref<1x256x64xf32, #tpu.memory_space<vmem>> -> memref<256x64xf32, #tpu.memory_space<vmem>>
        %dma_start3A_492 = arith.constant 0 : i32
        %dma_start3A_493 = arith.constant 0 : i32
        %dma_start3A_494 = tpu.memref_slice %dma_start3A_491[%dma_start3A_492, %dma_start3A_493] : memref<256x64xf32, #tpu.memory_space<vmem>> -> memref<128x64xf32, #tpu.memory_space<vmem>>
        %dma_start3A_495 = arith.constant 0 : i32
        %dma_start3A_496 = tpu.memref_slice %arg5[%add3A_486, %dma_start3A_495] : memref<200x128xi32, #tpu.memory_space<vmem>> -> memref<1x128xi32, #tpu.memory_space<vmem>>
        %dma_start3A_497 = tpu.memref_squeeze %dma_start3A_496 : memref<1x128xi32, #tpu.memory_space<vmem>> -> memref<128xi32, #tpu.memory_space<vmem>>
        %dma_start3A_498 = arith.constant 0 : i32
        %dma_start3A_499 = arith.constant 0 : i32
        %dma_start3A_500 = tpu.memref_slice %arg3[%dma_start3A_498, %dma_start3A_499] : memref<1000000x64xf32, #tpu.memory_space<hbm>> -> memref<1000000x64xf32, #tpu.memory_space<hbm>>
        tpu.enqueue_indirect_dma source(%dma_start3A_500 : memref<1000000x64xf32, #tpu.memory_space<hbm>>) target(%dma_start3A_494 : memref<128x64xf32, #tpu.memory_space<vmem>>) offsets(%dma_start3A_497 : memref<128xi32, #tpu.memory_space<vmem>>) semaphore(%arg7 : memref<!tpu.dma_semaphore, #tpu.memory_space<semaphore_mem>>)
        %mul3A_501 = arith.constant 2 : i32
        %mul3A_502 = arith.muli %add3A_482, %mul3A_501 : i32
        %add3A_503 = arith.constant 1 : i32
        %add3A_504 = arith.addi %mul3A_502, %add3A_503 : i32
        %dma_start3A_505 = arith.constant 0 : i32
        %dma_start3A_506 = arith.constant 0 : i32
        %dma_start3A_507 = arith.constant 0 : i32
        %dma_start3A_508 = tpu.memref_slice %arg6[%dma_start3A_505, %dma_start3A_506, %dma_start3A_507] : memref<4x256x64xf32, #tpu.memory_space<vmem>> -> memref<1x256x64xf32, #tpu.memory_space<vmem>>
        %dma_start3A_509 = tpu.memref_squeeze %dma_start3A_508 : memref<1x256x64xf32, #tpu.memory_space<vmem>> -> memref<256x64xf32, #tpu.memory_space<vmem>>
        %dma_start3A_510 = arith.constant 128 : i32
        %dma_start3A_511 = arith.constant 0 : i32
        %dma_start3A_512 = tpu.memref_slice %dma_start3A_509[%dma_start3A_510, %dma_start3A_511] : memref<256x64xf32, #tpu.memory_space<vmem>> -> memref<128x64xf32, #tpu.memory_space<vmem>>
        %dma_start3A_513 = arith.constant 0 : i32
        %dma_start3A_514 = tpu.memref_slice %arg5[%add3A_504, %dma_start3A_513] : memref<200x128xi32, #tpu.memory_space<vmem>> -> memref<1x128xi32, #tpu.memory_space<vmem>>
        %dma_start3A_515 = tpu.memref_squeeze %dma_start3A_514 : memref<1x128xi32, #tpu.memory_space<vmem>> -> memref<128xi32, #tpu.memory_space<vmem>>
        %dma_start3A_516 = arith.constant 0 : i32
        %dma_start3A_517 = arith.constant 0 : i32
        %dma_start3A_518 = tpu.memref_slice %arg3[%dma_start3A_516, %dma_start3A_517] : memref<1000000x64xf32, #tpu.memory_space<hbm>> -> memref<1000000x64xf32, #tpu.memory_space<hbm>>
        tpu.enqueue_indirect_dma source(%dma_start3A_518 : memref<1000000x64xf32, #tpu.memory_space<hbm>>) target(%dma_start3A_512 : memref<128x64xf32, #tpu.memory_space<vmem>>) offsets(%dma_start3A_515 : memref<128xi32, #tpu.memory_space<vmem>>) semaphore(%arg7 : memref<!tpu.dma_semaphore, #tpu.memory_space<semaphore_mem>>)
      } else {
      }
      %mul3A_394 = arith.constant 4 : i32
      %mul3A_395 = arith.muli %mul3A_394, %scan3A_194 : i32
      %add3A_396 = arith.constant 3 : i32
      %add3A_397 = arith.addi %mul3A_395, %add3A_396 : i32
      %mul3A_398 = arith.constant 2 : i32
      %mul3A_399 = arith.muli %add3A_397, %mul3A_398 : i32
      %add3A_400 = arith.constant 0 : i32
      %add3A_401 = arith.addi %mul3A_399, %add3A_400 : i32
      %dma_wait3A_402 = arith.constant 3 : i32
      %dma_wait3A_403 = arith.constant 0 : i32
      %dma_wait3A_404 = arith.constant 0 : i32
      %dma_wait3A_405 = tpu.memref_slice %arg6[%dma_wait3A_402, %dma_wait3A_403, %dma_wait3A_404] : memref<4x256x64xf32, #tpu.memory_space<vmem>> -> memref<1x256x64xf32, #tpu.memory_space<vmem>>
      %dma_wait3A_406 = tpu.memref_squeeze %dma_wait3A_405 : memref<1x256x64xf32, #tpu.memory_space<vmem>> -> memref<256x64xf32, #tpu.memory_space<vmem>>
      %dma_wait3A_407 = arith.constant 0 : i32
      %dma_wait3A_408 = arith.constant 0 : i32
      %dma_wait3A_409 = tpu.memref_slice %dma_wait3A_406[%dma_wait3A_407, %dma_wait3A_408] : memref<256x64xf32, #tpu.memory_space<vmem>> -> memref<128x64xf32, #tpu.memory_space<vmem>>
      %dma_wait3A_410 = arith.constant 0 : i32
      %dma_wait3A_411 = tpu.memref_slice %arg5[%add3A_401, %dma_wait3A_410] : memref<200x128xi32, #tpu.memory_space<vmem>> -> memref<1x128xi32, #tpu.memory_space<vmem>>
      %dma_wait3A_412 = tpu.memref_squeeze %dma_wait3A_411 : memref<1x128xi32, #tpu.memory_space<vmem>> -> memref<128xi32, #tpu.memory_space<vmem>>
      %dma_wait3A_413 = arith.constant 0 : i32
      %dma_wait3A_414 = arith.constant 0 : i32
      %dma_wait3A_415 = tpu.memref_slice %arg3[%dma_wait3A_413, %dma_wait3A_414] : memref<1000000x64xf32, #tpu.memory_space<hbm>> -> memref<1000000x64xf32, #tpu.memory_space<hbm>>
      tpu.wait_indirect_dma semaphore(%arg10 : memref<!tpu.dma_semaphore, #tpu.memory_space<semaphore_mem>>) src(%dma_wait3A_415 : memref<1000000x64xf32, #tpu.memory_space<hbm>>) dst(%dma_wait3A_409 : memref<128x64xf32, #tpu.memory_space<vmem>>)
      %mul3A_416 = arith.constant 2 : i32
      %mul3A_417 = arith.muli %add3A_397, %mul3A_416 : i32
      %add3A_418 = arith.constant 1 : i32
      %add3A_419 = arith.addi %mul3A_417, %add3A_418 : i32
      %dma_wait3A_420 = arith.constant 3 : i32
      %dma_wait3A_421 = arith.constant 0 : i32
      %dma_wait3A_422 = arith.constant 0 : i32
      %dma_wait3A_423 = tpu.memref_slice %arg6[%dma_wait3A_420, %dma_wait3A_421, %dma_wait3A_422] : memref<4x256x64xf32, #tpu.memory_space<vmem>> -> memref<1x256x64xf32, #tpu.memory_space<vmem>>
      %dma_wait3A_424 = tpu.memref_squeeze %dma_wait3A_423 : memref<1x256x64xf32, #tpu.memory_space<vmem>> -> memref<256x64xf32, #tpu.memory_space<vmem>>
      %dma_wait3A_425 = arith.constant 128 : i32
      %dma_wait3A_426 = arith.constant 0 : i32
      %dma_wait3A_427 = tpu.memref_slice %dma_wait3A_424[%dma_wait3A_425, %dma_wait3A_426] : memref<256x64xf32, #tpu.memory_space<vmem>> -> memref<128x64xf32, #tpu.memory_space<vmem>>
      %dma_wait3A_428 = arith.constant 0 : i32
      %dma_wait3A_429 = tpu.memref_slice %arg5[%add3A_419, %dma_wait3A_428] : memref<200x128xi32, #tpu.memory_space<vmem>> -> memref<1x128xi32, #tpu.memory_space<vmem>>
      %dma_wait3A_430 = tpu.memref_squeeze %dma_wait3A_429 : memref<1x128xi32, #tpu.memory_space<vmem>> -> memref<128xi32, #tpu.memory_space<vmem>>
      %dma_wait3A_431 = arith.constant 0 : i32
      %dma_wait3A_432 = arith.constant 0 : i32
      %dma_wait3A_433 = tpu.memref_slice %arg3[%dma_wait3A_431, %dma_wait3A_432] : memref<1000000x64xf32, #tpu.memory_space<hbm>> -> memref<1000000x64xf32, #tpu.memory_space<hbm>>
      tpu.wait_indirect_dma semaphore(%arg10 : memref<!tpu.dma_semaphore, #tpu.memory_space<semaphore_mem>>) src(%dma_wait3A_433 : memref<1000000x64xf32, #tpu.memory_space<hbm>>) dst(%dma_wait3A_427 : memref<128x64xf32, #tpu.memory_space<vmem>>)
      %mul3A_434 = arith.constant 2 : i32
      %mul3A_435 = arith.muli %add3A_397, %mul3A_434 : i32
      %add3A_436 = arith.addi %mul3A_2, %mul3A_435 : i32
      %mul3A_437 = arith.constant 128 : i32
      %mul3A_438 = arith.muli %add3A_436, %mul3A_437 : i32
      %dma_start3A_439 = arith.constant 3 : i32
      %dma_start3A_440 = arith.constant 0 : i32
      %dma_start3A_441 = arith.constant 0 : i32
      %dma_start3A_442 = tpu.memref_slice %arg6[%dma_start3A_439, %dma_start3A_440, %dma_start3A_441] : memref<4x256x64xf32, #tpu.memory_space<vmem>> -> memref<1x256x64xf32, #tpu.memory_space<vmem>>
      %dma_start3A_443 = tpu.memref_squeeze %dma_start3A_442 : memref<1x256x64xf32, #tpu.memory_space<vmem>> -> memref<256x64xf32, #tpu.memory_space<vmem>>
      %dma_start3A_444 = arith.constant 0 : i32
      %dma_start3A_445 = tpu.memref_slice %arg4[%mul3A_438, %dma_start3A_444] : memref<819200x64xf32, #tpu.memory_space<hbm>> -> memref<256x64xf32, #tpu.memory_space<hbm>>
      %dma_start3A_446 = arith.constant 0 : i32
      %dma_start3A_447 = tpu.memref_slice %arg4[%mul3A_438, %dma_start3A_446] : memref<819200x64xf32, #tpu.memory_space<hbm>> -> memref<256x64xf32, #tpu.memory_space<hbm>>
      %dma_start3A_448 = arith.constant 0 : i32
      %dma_start3A_449 = arith.constant 0 : i32
      %dma_start3A_450 = tpu.memref_slice %arg6[%dma_start3A_439, %dma_start3A_448, %dma_start3A_449] : memref<4x256x64xf32, #tpu.memory_space<vmem>> -> memref<1x256x64xf32, #tpu.memory_space<vmem>>
      %dma_start3A_451 = tpu.memref_squeeze %dma_start3A_450 : memref<1x256x64xf32, #tpu.memory_space<vmem>> -> memref<256x64xf32, #tpu.memory_space<vmem>>
      tpu.enqueue_dma source(%dma_start3A_451 : memref<256x64xf32, #tpu.memory_space<vmem>>) target(%dma_start3A_447 : memref<256x64xf32, #tpu.memory_space<hbm>>) target_semaphore(%arg14 : memref<!tpu.dma_semaphore, #tpu.memory_space<semaphore_mem>>)
      %ge3A_452 = arith.constant 2 : i32
      %ge3A_453 = arith.cmpi sge, %add3A_397, %ge3A_452 : i32
      %add3A_454 = arith.constant 2 : i32
      %add3A_455 = arith.addi %add3A_397, %add3A_454 : i32
      %lt3A_456 = arith.constant 100 : i32
      %lt3A_457 = arith.cmpi slt, %add3A_455, %lt3A_456 : i32
      %and3A_458 = arith.andi %ge3A_453, %lt3A_457 : i1
      %convert_element_type3A_459 = arith.extui %and3A_458 : i1 to i32
      %cond3A_460 = arith.constant 0 : i32
      %cond3A_461 = arith.cmpi ne, %convert_element_type3A_459, %cond3A_460 : i32
      scf.if %cond3A_461 {
        %sub3A = arith.constant 2 : i32
        %sub3A_462 = arith.subi %add3A_397, %sub3A : i32
        %mul3A_463 = arith.constant 2 : i32
        %mul3A_464 = arith.muli %sub3A_462, %mul3A_463 : i32
        %add3A_465 = arith.addi %mul3A_2, %mul3A_464 : i32
        %mul3A_466 = arith.constant 128 : i32
        %mul3A_467 = arith.muli %add3A_465, %mul3A_466 : i32
        %dma_wait3A_468 = arith.constant 1 : i32
        %dma_wait3A_469 = arith.constant 0 : i32
        %dma_wait3A_470 = arith.constant 0 : i32
        %dma_wait3A_471 = tpu.memref_slice %arg6[%dma_wait3A_468, %dma_wait3A_469, %dma_wait3A_470] : memref<4x256x64xf32, #tpu.memory_space<vmem>> -> memref<1x256x64xf32, #tpu.memory_space<vmem>>
        %dma_wait3A_472 = tpu.memref_squeeze %dma_wait3A_471 : memref<1x256x64xf32, #tpu.memory_space<vmem>> -> memref<256x64xf32, #tpu.memory_space<vmem>>
        %dma_wait3A_473 = arith.constant 0 : i32
        %dma_wait3A_474 = tpu.memref_slice %arg4[%mul3A_467, %dma_wait3A_473] : memref<819200x64xf32, #tpu.memory_space<hbm>> -> memref<256x64xf32, #tpu.memory_space<hbm>>
        %dma_wait3A_475 = arith.constant 0 : i32
        %dma_wait3A_476 = tpu.memref_slice %arg4[%mul3A_467, %dma_wait3A_475] : memref<819200x64xf32, #tpu.memory_space<hbm>> -> memref<256x64xf32, #tpu.memory_space<hbm>>
        %dma_wait3A_477 = arith.constant 0 : i32
        %dma_wait3A_478 = arith.constant 0 : i32
        %dma_wait3A_479 = tpu.memref_slice %arg6[%dma_wait3A_468, %dma_wait3A_477, %dma_wait3A_478] : memref<4x256x64xf32, #tpu.memory_space<vmem>> -> memref<1x256x64xf32, #tpu.memory_space<vmem>>
        %dma_wait3A_480 = tpu.memref_squeeze %dma_wait3A_479 : memref<1x256x64xf32, #tpu.memory_space<vmem>> -> memref<256x64xf32, #tpu.memory_space<vmem>>
        tpu.wait_dma2 semaphore(%arg12 : memref<!tpu.dma_semaphore, #tpu.memory_space<semaphore_mem>>) src(%dma_wait3A_480 : memref<256x64xf32, #tpu.memory_space<vmem>>) dst(%dma_wait3A_476 : memref<256x64xf32, #tpu.memory_space<hbm>>)
        %add3A_481 = arith.constant 2 : i32
        %add3A_482 = arith.addi %add3A_397, %add3A_481 : i32
        %mul3A_483 = arith.constant 2 : i32
        %mul3A_484 = arith.muli %add3A_482, %mul3A_483 : i32
        %add3A_485 = arith.constant 0 : i32
        %add3A_486 = arith.addi %mul3A_484, %add3A_485 : i32
        %dma_start3A_487 = arith.constant 1 : i32
        %dma_start3A_488 = arith.constant 0 : i32
        %dma_start3A_489 = arith.constant 0 : i32
        %dma_start3A_490 = tpu.memref_slice %arg6[%dma_start3A_487, %dma_start3A_488, %dma_start3A_489] : memref<4x256x64xf32, #tpu.memory_space<vmem>> -> memref<1x256x64xf32, #tpu.memory_space<vmem>>
        %dma_start3A_491 = tpu.memref_squeeze %dma_start3A_490 : memref<1x256x64xf32, #tpu.memory_space<vmem>> -> memref<256x64xf32, #tpu.memory_space<vmem>>
        %dma_start3A_492 = arith.constant 0 : i32
        %dma_start3A_493 = arith.constant 0 : i32
        %dma_start3A_494 = tpu.memref_slice %dma_start3A_491[%dma_start3A_492, %dma_start3A_493] : memref<256x64xf32, #tpu.memory_space<vmem>> -> memref<128x64xf32, #tpu.memory_space<vmem>>
        %dma_start3A_495 = arith.constant 0 : i32
        %dma_start3A_496 = tpu.memref_slice %arg5[%add3A_486, %dma_start3A_495] : memref<200x128xi32, #tpu.memory_space<vmem>> -> memref<1x128xi32, #tpu.memory_space<vmem>>
        %dma_start3A_497 = tpu.memref_squeeze %dma_start3A_496 : memref<1x128xi32, #tpu.memory_space<vmem>> -> memref<128xi32, #tpu.memory_space<vmem>>
        %dma_start3A_498 = arith.constant 0 : i32
        %dma_start3A_499 = arith.constant 0 : i32
        %dma_start3A_500 = tpu.memref_slice %arg3[%dma_start3A_498, %dma_start3A_499] : memref<1000000x64xf32, #tpu.memory_space<hbm>> -> memref<1000000x64xf32, #tpu.memory_space<hbm>>
        tpu.enqueue_indirect_dma source(%dma_start3A_500 : memref<1000000x64xf32, #tpu.memory_space<hbm>>) target(%dma_start3A_494 : memref<128x64xf32, #tpu.memory_space<vmem>>) offsets(%dma_start3A_497 : memref<128xi32, #tpu.memory_space<vmem>>) semaphore(%arg8 : memref<!tpu.dma_semaphore, #tpu.memory_space<semaphore_mem>>)
        %mul3A_501 = arith.constant 2 : i32
        %mul3A_502 = arith.muli %add3A_482, %mul3A_501 : i32
        %add3A_503 = arith.constant 1 : i32
        %add3A_504 = arith.addi %mul3A_502, %add3A_503 : i32
        %dma_start3A_505 = arith.constant 1 : i32
        %dma_start3A_506 = arith.constant 0 : i32
        %dma_start3A_507 = arith.constant 0 : i32
        %dma_start3A_508 = tpu.memref_slice %arg6[%dma_start3A_505, %dma_start3A_506, %dma_start3A_507] : memref<4x256x64xf32, #tpu.memory_space<vmem>> -> memref<1x256x64xf32, #tpu.memory_space<vmem>>
        %dma_start3A_509 = tpu.memref_squeeze %dma_start3A_508 : memref<1x256x64xf32, #tpu.memory_space<vmem>> -> memref<256x64xf32, #tpu.memory_space<vmem>>
        %dma_start3A_510 = arith.constant 128 : i32
        %dma_start3A_511 = arith.constant 0 : i32
        %dma_start3A_512 = tpu.memref_slice %dma_start3A_509[%dma_start3A_510, %dma_start3A_511] : memref<256x64xf32, #tpu.memory_space<vmem>> -> memref<128x64xf32, #tpu.memory_space<vmem>>
        %dma_start3A_513 = arith.constant 0 : i32
        %dma_start3A_514 = tpu.memref_slice %arg5[%add3A_504, %dma_start3A_513] : memref<200x128xi32, #tpu.memory_space<vmem>> -> memref<1x128xi32, #tpu.memory_space<vmem>>
        %dma_start3A_515 = tpu.memref_squeeze %dma_start3A_514 : memref<1x128xi32, #tpu.memory_space<vmem>> -> memref<128xi32, #tpu.memory_space<vmem>>
        %dma_start3A_516 = arith.constant 0 : i32
        %dma_start3A_517 = arith.constant 0 : i32
        %dma_start3A_518 = tpu.memref_slice %arg3[%dma_start3A_516, %dma_start3A_517] : memref<1000000x64xf32, #tpu.memory_space<hbm>> -> memref<1000000x64xf32, #tpu.memory_space<hbm>>
        tpu.enqueue_indirect_dma source(%dma_start3A_518 : memref<1000000x64xf32, #tpu.memory_space<hbm>>) target(%dma_start3A_512 : memref<128x64xf32, #tpu.memory_space<vmem>>) offsets(%dma_start3A_515 : memref<128xi32, #tpu.memory_space<vmem>>) semaphore(%arg8 : memref<!tpu.dma_semaphore, #tpu.memory_space<semaphore_mem>>)
      } else {
      }
    }
    %scan3A_126 = arith.constant 25 : i32
    %add3A_127 = arith.constant 192 : i32
    %add3A_128 = arith.addi %mul3A_2, %add3A_127 : i32
    %mul3A_129 = arith.constant 128 : i32
    %mul3A_130 = arith.muli %add3A_128, %mul3A_129 : i32
    %dma_wait3A = arith.constant 0 : i32
    %dma_wait3A_131 = arith.constant 0 : i32
    %dma_wait3A_132 = arith.constant 0 : i32
    %dma_wait3A_133 = tpu.memref_slice %arg6[%dma_wait3A, %dma_wait3A_131, %dma_wait3A_132] : memref<4x256x64xf32, #tpu.memory_space<vmem>> -> memref<1x256x64xf32, #tpu.memory_space<vmem>>
    %dma_wait3A_134 = tpu.memref_squeeze %dma_wait3A_133 : memref<1x256x64xf32, #tpu.memory_space<vmem>> -> memref<256x64xf32, #tpu.memory_space<vmem>>
    %dma_wait3A_135 = arith.constant 0 : i32
    %dma_wait3A_136 = tpu.memref_slice %arg4[%mul3A_130, %dma_wait3A_135] : memref<819200x64xf32, #tpu.memory_space<hbm>> -> memref<256x64xf32, #tpu.memory_space<hbm>>
    %dma_wait3A_137 = arith.constant 0 : i32
    %dma_wait3A_138 = tpu.memref_slice %arg4[%mul3A_130, %dma_wait3A_137] : memref<819200x64xf32, #tpu.memory_space<hbm>> -> memref<256x64xf32, #tpu.memory_space<hbm>>
    %dma_wait3A_139 = arith.constant 0 : i32
    %dma_wait3A_140 = arith.constant 0 : i32
    %dma_wait3A_141 = tpu.memref_slice %arg6[%dma_wait3A, %dma_wait3A_139, %dma_wait3A_140] : memref<4x256x64xf32, #tpu.memory_space<vmem>> -> memref<1x256x64xf32, #tpu.memory_space<vmem>>
    %dma_wait3A_142 = tpu.memref_squeeze %dma_wait3A_141 : memref<1x256x64xf32, #tpu.memory_space<vmem>> -> memref<256x64xf32, #tpu.memory_space<vmem>>
    tpu.wait_dma2 semaphore(%arg11 : memref<!tpu.dma_semaphore, #tpu.memory_space<semaphore_mem>>) src(%dma_wait3A_142 : memref<256x64xf32, #tpu.memory_space<vmem>>) dst(%dma_wait3A_138 : memref<256x64xf32, #tpu.memory_space<hbm>>)
    %add3A_143 = arith.constant 194 : i32
    %add3A_144 = arith.addi %mul3A_2, %add3A_143 : i32
    %mul3A_145 = arith.constant 128 : i32
    %mul3A_146 = arith.muli %add3A_144, %mul3A_145 : i32
    %dma_wait3A_147 = arith.constant 1 : i32
    %dma_wait3A_148 = arith.constant 0 : i32
    %dma_wait3A_149 = arith.constant 0 : i32
    %dma_wait3A_150 = tpu.memref_slice %arg6[%dma_wait3A_147, %dma_wait3A_148, %dma_wait3A_149] : memref<4x256x64xf32, #tpu.memory_space<vmem>> -> memref<1x256x64xf32, #tpu.memory_space<vmem>>
    %dma_wait3A_151 = tpu.memref_squeeze %dma_wait3A_150 : memref<1x256x64xf32, #tpu.memory_space<vmem>> -> memref<256x64xf32, #tpu.memory_space<vmem>>
    %dma_wait3A_152 = arith.constant 0 : i32
    %dma_wait3A_153 = tpu.memref_slice %arg4[%mul3A_146, %dma_wait3A_152] : memref<819200x64xf32, #tpu.memory_space<hbm>> -> memref<256x64xf32, #tpu.memory_space<hbm>>
    %dma_wait3A_154 = arith.constant 0 : i32
    %dma_wait3A_155 = tpu.memref_slice %arg4[%mul3A_146, %dma_wait3A_154] : memref<819200x64xf32, #tpu.memory_space<hbm>> -> memref<256x64xf32, #tpu.memory_space<hbm>>
    %dma_wait3A_156 = arith.constant 0 : i32
    %dma_wait3A_157 = arith.constant 0 : i32
    %dma_wait3A_158 = tpu.memref_slice %arg6[%dma_wait3A_147, %dma_wait3A_156, %dma_wait3A_157] : memref<4x256x64xf32, #tpu.memory_space<vmem>> -> memref<1x256x64xf32, #tpu.memory_space<vmem>>
    %dma_wait3A_159 = tpu.memref_squeeze %dma_wait3A_158 : memref<1x256x64xf32, #tpu.memory_space<vmem>> -> memref<256x64xf32, #tpu.memory_space<vmem>>
    tpu.wait_dma2 semaphore(%arg12 : memref<!tpu.dma_semaphore, #tpu.memory_space<semaphore_mem>>) src(%dma_wait3A_159 : memref<256x64xf32, #tpu.memory_space<vmem>>) dst(%dma_wait3A_155 : memref<256x64xf32, #tpu.memory_space<hbm>>)
    %add3A_160 = arith.constant 196 : i32
    %add3A_161 = arith.addi %mul3A_2, %add3A_160 : i32
    %mul3A_162 = arith.constant 128 : i32
    %mul3A_163 = arith.muli %add3A_161, %mul3A_162 : i32
    %dma_wait3A_164 = arith.constant 2 : i32
    %dma_wait3A_165 = arith.constant 0 : i32
    %dma_wait3A_166 = arith.constant 0 : i32
    %dma_wait3A_167 = tpu.memref_slice %arg6[%dma_wait3A_164, %dma_wait3A_165, %dma_wait3A_166] : memref<4x256x64xf32, #tpu.memory_space<vmem>> -> memref<1x256x64xf32, #tpu.memory_space<vmem>>
    %dma_wait3A_168 = tpu.memref_squeeze %dma_wait3A_167 : memref<1x256x64xf32, #tpu.memory_space<vmem>> -> memref<256x64xf32, #tpu.memory_space<vmem>>
    %dma_wait3A_169 = arith.constant 0 : i32
    %dma_wait3A_170 = tpu.memref_slice %arg4[%mul3A_163, %dma_wait3A_169] : memref<819200x64xf32, #tpu.memory_space<hbm>> -> memref<256x64xf32, #tpu.memory_space<hbm>>
    %dma_wait3A_171 = arith.constant 0 : i32
    %dma_wait3A_172 = tpu.memref_slice %arg4[%mul3A_163, %dma_wait3A_171] : memref<819200x64xf32, #tpu.memory_space<hbm>> -> memref<256x64xf32, #tpu.memory_space<hbm>>
    %dma_wait3A_173 = arith.constant 0 : i32
    %dma_wait3A_174 = arith.constant 0 : i32
    %dma_wait3A_175 = tpu.memref_slice %arg6[%dma_wait3A_164, %dma_wait3A_173, %dma_wait3A_174] : memref<4x256x64xf32, #tpu.memory_space<vmem>> -> memref<1x256x64xf32, #tpu.memory_space<vmem>>
    %dma_wait3A_176 = tpu.memref_squeeze %dma_wait3A_175 : memref<1x256x64xf32, #tpu.memory_space<vmem>> -> memref<256x64xf32, #tpu.memory_space<vmem>>
    tpu.wait_dma2 semaphore(%arg13 : memref<!tpu.dma_semaphore, #tpu.memory_space<semaphore_mem>>) src(%dma_wait3A_176 : memref<256x64xf32, #tpu.memory_space<vmem>>) dst(%dma_wait3A_172 : memref<256x64xf32, #tpu.memory_space<hbm>>)
    %add3A_177 = arith.constant 198 : i32
    %add3A_178 = arith.addi %mul3A_2, %add3A_177 : i32
    %mul3A_179 = arith.constant 128 : i32
    %mul3A_180 = arith.muli %add3A_178, %mul3A_179 : i32
    %dma_wait3A_181 = arith.constant 3 : i32
    %dma_wait3A_182 = arith.constant 0 : i32
    %dma_wait3A_183 = arith.constant 0 : i32
    %dma_wait3A_184 = tpu.memref_slice %arg6[%dma_wait3A_181, %dma_wait3A_182, %dma_wait3A_183] : memref<4x256x64xf32, #tpu.memory_space<vmem>> -> memref<1x256x64xf32, #tpu.memory_space<vmem>>
    %dma_wait3A_185 = tpu.memref_squeeze %dma_wait3A_184 : memref<1x256x64xf32, #tpu.memory_space<vmem>> -> memref<256x64xf32, #tpu.memory_space<vmem>>
    %dma_wait3A_186 = arith.constant 0 : i32
    %dma_wait3A_187 = tpu.memref_slice %arg4[%mul3A_180, %dma_wait3A_186] : memref<819200x64xf32, #tpu.memory_space<hbm>> -> memref<256x64xf32, #tpu.memory_space<hbm>>
    %dma_wait3A_188 = arith.constant 0 : i32
    %dma_wait3A_189 = tpu.memref_slice %arg4[%mul3A_180, %dma_wait3A_188] : memref<819200x64xf32, #tpu.memory_space<hbm>> -> memref<256x64xf32, #tpu.memory_space<hbm>>
    %dma_wait3A_190 = arith.constant 0 : i32
    %dma_wait3A_191 = arith.constant 0 : i32
    %dma_wait3A_192 = tpu.memref_slice %arg6[%dma_wait3A_181, %dma_wait3A_190, %dma_wait3A_191] : memref<4x256x64xf32, #tpu.memory_space<vmem>> -> memref<1x256x64xf32, #tpu.memory_space<vmem>>
    %dma_wait3A_193 = tpu.memref_squeeze %dma_wait3A_192 : memref<1x256x64xf32, #tpu.memory_space<vmem>> -> memref<256x64xf32, #tpu.memory_space<vmem>>
    tpu.wait_dma2 semaphore(%arg14 : memref<!tpu.dma_semaphore, #tpu.memory_space<semaphore_mem>>) src(%dma_wait3A_193 : memref<256x64xf32, #tpu.memory_space<vmem>>) dst(%dma_wait3A_189 : memref<256x64xf32, #tpu.memory_space<hbm>>)
    return
  }
}

</mosaic_0001>

<sc_bundles>
// kernel: kernel.3.cloned.1.call-start
scs
__scs_entry_jumppad:
0x0: {  	(pc) =	sbr.rel $0x88, $3  }
0x1: {  	(tag) =	ssettag $0x0;
	lr =	simm.s32 $0x1  }
0x2: {  	[smem:$0x3F9F] =	sst lr;
	_ =	strace $0xD0000000  }
0x3: {  	_ = 	snop  }
0x4: {  	_ = 	snop  }
0x5: {  	_ = 	snop  }
0x6: {  	_ = 	snop  }
0x7: {  	_ = 	snop  }
__scs_overlays_trampoline_lowered:
0x8: {  	[smem:$0x3FAE] =	sst s0  }
0x9: {  	[smem:$0x3FAF] =	sst s1  }
0xa: {  	[smem:$0x3FB0] =	sst s2  }
0xb: {  	[smem:$0x3FB1] =	sst s3  }
0xc: {  	[smem:$0x3FB2] =	sst s4  }
0xd: {  	[smem:$0x3FB3] =	sst s5  }
0xe: {  	[smem:$0x3FB4] =	sst s6  }
0xf: {  	[smem:$0x3FB5] =	sst s7  }
0x10: {  	[smem:$0x3FB6] =	sst s8  }
0x11: {  	[smem:$0x3FB7] =	sst s9;
	s0 =	simm.s32 @!p0 $0x0  }
0x12: {  	s1 =	sld [smem:$0x3F9D];
	s0 =	simm.s32 @p0 $0x1  }
0x13: {  	[smem:$0x3FB8] =	sst s0;
	s0 =	simm.s32 @!p1 $0x0  }
0x14: {  	s2 =	sld [smem:$0x3F9C];
	s0 =	simm.s32 @p1 $0x1  }
0x15: {  	[smem:$0x3FB9] =	sst s0;
	s0 =	simm.s32 @!p2 $0x0  }
0x16: {  	s3 =	sld [smem:$0x3FDB];
	s0 =	simm.s32 @p2 $0x1  }
0x17: {  	s4 =	simm.s32 $0x1BF5;
	[smem:$0x3FBB] =	sst s0  }
0x18: {  	s0 =	sld [smem:$0x3F9E];
	_ =	swait.ge [sflag:s4], $0x0  }
0x19: {  	s7 =	sld [smem:$0x3F9F]  }
0x1a: {  	s8 =	sadd.s32 $0xFFFFE003, lr  }
0x1b: {  	s9 =	sadd.s32 $0xFFFFFEF7, lr;
	s5 =	simm.s32 $0xFFFFFFFF;
	p2 =	slt.u32 s8, $0xFFFFF086  }
0x1c: {  	p1 =	slt.u32 s9, $0xF7A;
	s5 =	simm.s32 @!p2 $0x0  }
0x1d: {  	s5 =	simm.s32 @p1 $0x1;
	p0 =	seq.s32 s7, s2  }
0x1e: {  	s7 =	smul.u32 @!p0 $0xF7A, s2;
	p2 =	seq.s32 @!p0 s5, $0x0  }
0x1f: {  	s9 =	smul.u32 $0xF7A, s1;
	s8 =	simm.s32 @!p0 $0x1BF5;
	p2 =	por !p2, p0  }
0x20: {  	[sflag:s8] =	ssyncset.s32 @!p0 $0xFFFFF086;
	s6 =	sadd.s32 @!p0 s3, s7;
	s7 =	simm.s32 @!p0 $0x108  }
0x21: {  	s3 =	sadd.s32 s3, s9;
	s6 =	sadd.s32 @!p0 $0x88, s6;
	s7 =	simm.s32 @p2 $0x1082  }
0x22: {  	[simem:s7], [sflag:s8] =	dma.local @!p0 [hbm:s6], $0xF7A  }
0x23: {  	s9 =	sor.u32 $0xD0000000, s2;
	s6 =	simm.s32 $0x108;
	_ =	swait.ge @!p0 [sflag:s8], $0x0  }
0x24: {  	s3 =	sadd.s32 $0x88, s3;
	s6 =	simm.s32 @!p1 $0x1082;
	[sflag:s4] =	ssyncset.s32 $0xFFFFF086  }
0x25: {  	[simem:s6], [sflag:s4] =	dma.local [hbm:s3], $0xF7A  }
0x26: {  	[smem:$0x3F9F] =	sst s1;
	(tag) =	ssettag s2;
	_ =	strace s9  }
0x27: {  	s1 =	sld [smem:$0x3FAF]  }
0x28: {  	s2 =	sld [smem:$0x3FB0]  }
0x29: {  	s4 =	sld [smem:$0x3FB2]  }
0x2a: {  	p0 =	seq.s32 s5, $0x0;
	s5 =	sld [smem:$0x3FB3]  }
0x2b: {  	s6 =	sld [smem:$0x3FB4]  }
0x2c: {  	s7 =	sld [smem:$0x3FB5]  }
0x2d: {  	s3 =	simm.s32 $0x108;
	s8 =	sld [smem:$0x3FB6]  }
0x2e: {  	s3 =	simm.s32 @!p0 $0x1082;
	s9 =	sld [smem:$0x3FB7]  }
0x2f: {  	lr =	sadd.s32 s0, s3;
	s0 =	sld [smem:$0x3FAE]  }
0x30: {  	s3 =	sld [smem:$0x3FB1]  }
0x31: {  	[smem:$0x3FBA] =	sst s10  }
0x32: {  	s10 =	sld [smem:$0x3FB8];
	_ =	sdelay $0x3  }
0x33: {  	p0 =	seq.s32 s10, $0x1;
	s10 =	sld [smem:$0x3FBA];
	_ =	sdelay $0x3  }
0x34: {  	[smem:$0x3FBA] =	sst s10  }
0x35: {  	s10 =	sld [smem:$0x3FB9];
	_ =	sdelay $0x3  }
0x36: {  	p1 =	seq.s32 s10, $0x1;
	s10 =	sld [smem:$0x3FBA];
	_ =	sdelay $0x3  }
0x37: {  	[smem:$0x3FBA] =	sst s10  }
0x38: {  	s10 =	sld [smem:$0x3FBB]  }
0x39: {  	_ = 	snop;
	(pc) =	sbr.ind lr, $3  }
0x3a: {  	_ = 	snop  }
0x3b: {  	_ = 	snop  }
0x3c: {  	p2 =	seq.s32 s10, $0x1;
	s10 =	sld [smem:$0x3FBA]  }
0x3d: {  	_ =	shalt  }
0x3e: {  	_ =	shalt  }
0x3f: {  	_ =	shalt  }
0x40: {  	_ =	shalt  }
0x41: {  	_ =	shalt  }
0x42: {  	_ =	shalt  }
0x43: {  	_ =	shalt  }
0x44: {  	_ =	shalt  }
0x45: {  	_ =	shalt  }
0x46: {  	_ =	shalt  }
0x47: {  	_ =	shalt  }
0x48: {  	_ =	shalt  }
0x49: {  	_ =	shalt  }
0x4a: {  	_ =	shalt  }
0x4b: {  	_ =	shalt  }
0x4c: {  	_ =	shalt  }
0x4d: {  	_ =	shalt  }
0x4e: {  	_ =	shalt  }
0x4f: {  	_ =	shalt  }
0x50: {  	_ =	shalt  }
0x51: {  	_ =	shalt  }
0x52: {  	_ =	shalt  }
0x53: {  	_ =	shalt  }
0x54: {  	_ =	shalt  }
0x55: {  	_ =	shalt  }
0x56: {  	_ =	shalt  }
0x57: {  	_ =	shalt  }
0x58: {  	_ =	shalt  }
0x59: {  	_ =	shalt  }
0x5a: {  	_ =	shalt  }
0x5b: {  	_ =	shalt  }
0x5c: {  	_ =	shalt  }
0x5d: {  	_ =	shalt  }
0x5e: {  	_ =	shalt  }
0x5f: {  	_ =	shalt  }
0x60: {  	_ =	shalt  }
0x61: {  	_ =	shalt  }
0x62: {  	_ =	shalt  }
0x63: {  	_ =	shalt  }
0x64: {  	_ =	shalt  }
0x65: {  	_ =	shalt  }
0x66: {  	_ =	shalt  }
0x67: {  	_ =	shalt  }
0x68: {  	_ =	shalt  }
0x69: {  	_ =	shalt  }
0x6a: {  	_ =	shalt  }
0x6b: {  	_ =	shalt  }
0x6c: {  	_ =	shalt  }
0x6d: {  	_ =	shalt  }
0x6e: {  	_ =	shalt  }
0x6f: {  	_ =	shalt  }
0x70: {  	_ =	shalt  }
0x71: {  	_ =	shalt  }
0x72: {  	_ =	shalt  }
0x73: {  	_ =	shalt  }
0x74: {  	_ =	shalt  }
0x75: {  	_ =	shalt  }
0x76: {  	_ =	shalt  }
0x77: {  	_ =	shalt  }
0x78: {  	_ =	shalt  }
0x79: {  	_ =	shalt  }
0x7a: {  	_ =	shalt  }
0x7b: {  	_ =	shalt  }
0x7c: {  	_ =	shalt  }
0x7d: {  	_ =	shalt  }
0x7e: {  	_ =	shalt  }
0x7f: {  	_ =	shalt  }
0x80: {  	_ =	shalt  }
0x81: {  	_ =	shalt  }
0x82: {  	_ =	shalt  }
0x83: {  	_ =	shalt  }
0x84: {  	_ =	shalt  }
0x85: {  	_ =	shalt  }
0x86: {  	_ =	shalt  }
0x87: {  	_ =	shalt  }
.Lfunc_end0:
.L_simem_size_0:
called_computation.1_lowered:
.L_overlay_start_0:
0x88: {  	s2 =	sld [smem:$0x3FD9]  }
0x89: {  	s3 =	sld [smem:$0x3FFE];
	_ =	sdelay $0x1  }
0x8a: {  	s1 =	srdreg.scid  }
0x8b: {  	s0 =	sand.u32 $0x1, s1  }
0x8c: {  	s17 =	sshll.u32 s0, $0xA;
	s2 =	sadd.s32 s3, s2  }
0x8d: {  	s2 =	sadd.s32 s2, s17  }
0x8e: {  	[smem:$0x3FC6] =	sst s2  }
0x8f: {  	_ = 	snop  }
0x90: {  	s2 =	sld [smem:$0x3FD0];
	(tm) =	ssettm $0x1  }
0x91: {  	s18 =	sld [smem:$0x3FFB];
	_ =	sdelay $0x3  }
0x92: {  	_ =	strace s18  }
0x93: {  	s3 =	sld [smem:$0x3FFC];
	_ =	sdelay $0x3  }
0x94: {  	_ =	strace s3  }
0x95: {  	s3 =	sld [smem:$0x3FFD];
	_ =	sdelay $0x3  }
0x96: {  	_ =	strace s3  }
0x97: {  	_ =	strace $0x8FFFFFFF  }
0x98: {  	s19 =	sld [smem:$0x3FDB];
	_ =	sdelay $0x1  }
0x99: {  	s4 =	simm.s32 $_scs_section_size  }
0x9a: {  	s5 =	simm.s32 $_size__tile_overlayer_lowered;
	s6 =	simm.s32 $_tile_overlayer_lowered  }
0x9b: {  	s22 =	simm.s32 $0x1BFF;
	s21 =	sshll.u32 s6, $0x1;
	s3 =	sadd.s32 s4, s19  }
0x9c: {  	s7 =	simm.s32 $0x0;
	s20 =	sshll.u32 s5, $0x1;
	s5 =	sadd.s32 s21, s3  }
0x9d: {  	[timem:s7], [sflag:s22] =	dma.local [hbm:s5], s20  }
0x9e: {  	_ =	swait.ge [sflag:s22], s20  }
0x9f: {  	s4 =	ssub.s32 $0x0, s20;
	[sflag:s22] =	ssyncset.done $0x0  }
0xa0: {  	[sflag:s22] =	ssyncadd.s32 s4;
	_ =	sdelay $0x1  }
0xa1: {  	s23 =	simm.s32 $0x1B8B  }
0xa2: {  	_ =	swait.ge [sflag:s23], $0x1  }
0xa3: {  	[sflag:s23] =	ssyncset.done $0x0  }
0xa4: {  	s25 =	simm.s32 $0x1B8E;
	s24 =	sld [smem:$0x3FFE];
	[sflag:s23] =	ssyncadd.s32 $0xFFFFFFFF  }
0xa5: {  	s26 =	simm.s32 $execute0_lowered;
	[smem:$0x3FD2] =	sst s25  }
0xa6: {  	s5 =	sshll.u32 s26, $0x1;
	_ =	strace $0x80000046;
	[dreg:$0x1] =	wrdreg $0xFFFFFFFF  }
0xa7: {  	s28 =	simm.s32 $_size_execute0_lowered;
	s3 =	sadd.s32 s3, s5;
	[dreg:$0x0] =	wrdreg $0x0  }
0xa8: {  	s5 =	sshll.u32 s28, $0x1;
	[dreg:$0x2] =	wrdreg s3  }
0xa9: {  	[dreg:$0x3] =	wrdreg s5  }
0xaa: {  	[dreg:$0x4] =	wrdreg $0xC0  }
0xab: {  	_ =	task [dreg:s7], $0x5FFFF  }
0xac: {  	[dreg:$0x1] =	wrdreg $0xFFFFFFFF  }
0xad: {  	[dreg:$0x0] =	wrdreg $0x60  }
0xae: {  	[dreg:$0x2] =	wrdreg s24  }
0xaf: {  	[dreg:$0x3] =	wrdreg s2  }
0xb0: {  	[dreg:$0x4] =	wrdreg $0x9  }
0xb1: {  	_ =	task.clear_ibuf [dreg:s7], $0x5FFFF;
	_ =	strace $0x90000046  }
0xb2: {  	s29 =	simm.s32 $0x9;
	_ =	strace $0x80000048  }
0xb3: {  	_ =	swait.ge [sflag:s29], $0x1  }
0xb4: {  	[sflag:s29] =	ssyncadd.s32 $0xFFFFFFFF  }
0xb5: {  	_ =	strace $0x90000048  }
0xb6: {  	_ =	sfence  }
0xb7: {  	s30 =	sld [smem:$0x0];
	_ =	sdelay $0x2  }
0xb8: {  	s31 =	sshll.u32 s1, $0xD;
	s1 =	sshrl.u32 s1, $0x2  }
0xb9: {  	s3 =	sand.u32 $0x4000, s31;
	s1 =	sadd.s32 s1, s30  }
0xba: {  	s0 =	sor.u32 s3, s0;
	s1 =	sshll.u32 s1, $0x11  }
0xbb: {  	s0 =	sor.u32 s1, s0  }
0xbc: {  	s0 =	sadd.s32 $0x8F2B, s0  }
0xbd: {  	[sflag:s0] =	ssyncadd.remote.s32 $0x1  }
0xbe: {  	_ =	sfence.sel $0xFFFF  }
0xbf: {  	[dreg:$0x0] =	wrdreg $0xFFFFFFFF;
	(pc) =	sbr.abs _section_cstart, $3  }
0xc0: {  	[dreg:$0x1] =	wrdreg $0xFFFFFFFF  }
0xc1: {  	_ =	task.clear_ibuf [dreg:s7], $0x2FFFF;
	_ =	strace $0x9FFFFFFF  }
0xc2: {  	(tm) =	ssettm $0x7FFFFFFF  }
0xc3: {  	_ =	shalt  }
tec
execute0_lowered:
.L_overlay_start_1:
0x0: {  	(tag) =	ssettag $0x1  }
0x1: {  	s0 =	rddreg [dreg:$0x0]  }
0x2: {  	s1 =	rddreg [dreg:$0x1];
	s2 =	srdreg.scid  }
0x3: {  	s5 =	stileid.u32;
	s10 =	simm.s32 $0x9;
	s11 =	simm.s32 $0x80  }
0x4: {  	s12 =	simm.s32 $0x6400;
	s15 =	simm.s32 $0xA400;
	s17 =	simm.s32 $0xC400  }
0x5: {  	s19 =	simm.s32 $0xE400;
	s28 =	simm.s32 $0x2;
	s29 =	simm.s32 $0x3  }
0x6: {  	s30 =	simm.s32 $0x4;
	s31 =	simm.s32 $0x5;
	s13 =	simm.s32 $0x8  }
0x7: {  	s14 =	simm.s32 $0x0;
	s3 =	sand.u32 $0x1, s2;
	s4 =	sshll.u32 s5, $0x1  }
0x8: {  	s5 =	smul.u32 $0x320000, s5;
	s2 =	simm.s32 $0x0;
	s4 =	sor.u32 s3, s4  }
0x9: {  	s6 =	smul.u32 $0x190000, s3;
	[smem:$0x7FF] =	sst s2;
	s7 =	ssub.s32 $0x2, s3  }
0xa: {  	s3 =	sadd.s32 $0xF42E00, s0;
	s4 =	smul.u32 $0xC80, s4;
	s21 =	sshrl.u32 s7, $0x1  }
0xb: {  	_ =	strace $0x80000047;
	s6 =	sadd.s32 s6, s5;
	s22 =	ssub.s32 s7, s21  }
0xc: {  	s4 =	sadd.s32 s4, s0;
	s8 =	sor.u32 $0x4000, s6;
	s0 =	smax.u32 s22, $0x1  }
0xd: {  	s24 =	sshrl.u32 s6, $0x3;
	s25 =	sor.u32 $0xC000, s6;
	s6 =	sor.u32 $0x8000, s6  }
.Ltmp0:
0xe: {  	s23 =	sshrl.u32 s8, $0x3;
	s4 =	sadd.s32 $0xA00, s4;
	(pc) =	sbr.rel .LBB2_1-.Ltmp0, $4  }
0xf: {  	[dreg:$0x4] =	wrdreg s0;
	s20 =	sadd.s32 s24, s1;
	s26 =	sshrl.u32 s25, $0x3  }
0x10: {  	s6 =	sshrl.u32 s6, $0x3;
	s0 =	simm.s32 $0x6;
	[dreg:$0x3] =	wrdreg s4  }
0x11: {  	s21 =	sadd.s32 s23, s1;
	s18 =	sadd.s32 s26, s1;
	s16 =	sadd.s32 s6, s1  }
0x12: {  	s23 =	simm.s32 $0x12400;
	s26 =	simm.s32 $0x1;
	s1 =	simm.s32 $0x7  }
.LBB2_4:
0x13: {  	_ =	swait.ge [sflag:s31], $0x4000  }
0x14: {  	[sflag:s31] =	ssyncset.done $0x0  }
0x15: {  	[sflag:s31] =	ssyncadd.s32 $0xFFFFC000  }
0x16: {  	_ =	swait.ge [sflag:s0], $0x4000  }
0x17: {  	[sflag:s0] =	ssyncset.done $0x0  }
0x18: {  	[sflag:s0] =	ssyncadd.s32 $0xFFFFC000  }
0x19: {  	_ =	swait.ge [sflag:s1], $0x4000  }
0x1a: {  	[sflag:s1] =	ssyncset.done $0x0  }
0x1b: {  	[sflag:s1] =	ssyncadd.s32 $0xFFFFC000  }
0x1c: {  	_ =	swait.ge [sflag:s13], $0x4000  }
0x1d: {  	s14 =	sadd.s32 $0x1, s14;
	s4 =	rddreg [dreg:$0x4]  }
0x1e: {  	p0 =	sne.s32 s14, s4  }
.Ltmp1:
0x1f: {  	_ = 	snop;
	(pc) =	sbr.rel @!p0 .LBB2_5-.Ltmp1, $3  }
0x20: {  	_ =	sdelay $0x1  }
0x21: {  	[sflag:s13] =	ssyncset.done $0x0  }
0x22: {  	[sflag:s13] =	ssyncadd.s32 $0xFFFFC000  }
.LBB2_1:
0x23: {  	s4 =	rddreg [dreg:$0x3]  }
0x24: {  	[tilespmem:s2], [sflag:$0x9] =	stream.linear.gather [hbm4b:s4+s2], $0x6400, $0x38;
	[tilespmem:$0x16400] =	vst v63  }
0x25: {  	_ =	swait.ge [sflag:s10], $0x6400  }
0x26: {  	[sflag:s10] =	ssyncset.done $0x0  }
0x27: {  	[sflag:s10] =	ssyncadd.s32 $0xFFFF9C00  }
0x28: {  	[tilespmem:s12], [sflag:$0x1] =	stream.indirect.gather [hbm4b:s3+s11], $0x40, s2, s11, $0xb8;
	[tilespmem:$0x16400] =	vst v63  }
0x29: {  	s5 =	simm.s32 $0x8400  }
0x2a: {  	[tilespmem:s5], [sflag:$0x1] =	stream.indirect.gather [hbm4b:s3+s11], $0x40, s11, s11, $0xb8;
	[tilespmem:$0x16400] =	vst v63  }
0x2b: {  	s6 =	simm.s32 $0x100  }
0x2c: {  	[tilespmem:s15], [sflag:$0x2] =	stream.indirect.gather [hbm4b:s3+s11], $0x40, s6, s11, $0xb8;
	[tilespmem:$0x16400] =	vst v63  }
0x2d: {  	s7 =	simm.s32 $0x180  }
0x2e: {  	[tilespmem:s17], [sflag:$0x2] =	stream.indirect.gather [hbm4b:s3+s11], $0x40, s7, s11, $0xb8;
	[tilespmem:$0x16400] =	vst v63  }
0x2f: {  	s8 =	simm.s32 $0x200;
	s9 =	simm.s32 $0x280  }
0x30: {  	[tilespmem:s19], [sflag:$0x3] =	stream.indirect.gather [hbm4b:s3+s11], $0x40, s8, s11, $0xb8;
	[tilespmem:$0x16400] =	vst v63  }
0x31: {  	s22 =	simm.s32 $0x300;
	s24 =	simm.s32 $0x380;
	s5 =	simm.s32 $0x10400  }
0x32: {  	[tilespmem:s5], [sflag:$0x3] =	stream.indirect.gather [hbm4b:s3+s11], $0x40, s9, s11, $0xb8;
	[tilespmem:$0x16400] =	vst v63  }
0x33: {  	s25 =	simm.s32 $0x14400;
	s6 =	smov.u32 s21;
	s7 =	smov.u32 s20  }
0x34: {  	[tilespmem:s23], [sflag:$0x4] =	stream.indirect.gather [hbm4b:s3+s11], $0x40, s22, s11, $0xb8;
	[tilespmem:$0x16400] =	vst v63  }
0x35: {  	s8 =	smov.u32 s18;
	s9 =	smov.u32 s16;
	s22 =	simm.s32 $0x0  }
0x36: {  	[tilespmem:s25], [sflag:$0x4] =	stream.indirect.gather [hbm4b:s3+s11], $0x40, s24, s11, $0xb8;
	[tilespmem:$0x16400] =	vst v63  }
.LBB2_2:
0x37: {  	_ =	swait.ge [sflag:s26], $0x2000  }
0x38: {  	[sflag:s26] =	ssyncset.done $0x0  }
0x39: {  	[sflag:s26] =	ssyncadd.s32 $0xFFFFE000  }
0x3a: {  	_ =	swait.ge [sflag:s26], $0x2000  }
0x3b: {  	p0 =	seq.s32 s22, $0x0;
	[sflag:s26] =	ssyncset.done $0x0  }
0x3c: {  	s24 =	simm.s32 @!p0 $0x7;
	[sflag:s26] =	ssyncadd.s32 $0xFFFFE000  }
0x3d: {  	[hbm4b:s7+s2] =	stream.linear.scatter [tilespmem:s12], [sflag:$0x5], $0x4000, $0x38;
	[tilespmem:$0x16400] =	vst v63  }
0x3e: {  	_ =	swait.ge @!p0 [sflag:s24], $0x4000  }
0x3f: {  	[sflag:s24] =	ssyncset.done @!p0 $0x0  }
0x40: {  	[sflag:s24] =	ssyncadd.s32 @!p0 $0xFFFFC000;
	s24 =	sshra.s32 @!p0 s22, $0x2  }
0x41: {  	s4 =	simm.s32 @!p0 $0x80;
	s5 =	simm.s32 @!p0 $0xE400;
	s25 =	sadd.s32 @!p0 $0x200, s24  }
0x42: {  	[tilespmem:s5], [sflag:$0x3] =	stream.indirect.gather @!p0 [hbm4b:s3+s4], $0x40, s25, s4, $0xb8;
	[tilespmem:$0x16400] =	vst v63  }
0x43: {  	s5 =	sadd.s32 @!p0 $0x280, s24;
	s25 =	simm.s32 @!p0 $0x10400  }
0x44: {  	[tilespmem:s25], [sflag:$0x3] =	stream.indirect.gather @!p0 [hbm4b:s3+s4], $0x40, s5, s4, $0xb8;
	[tilespmem:$0x16400] =	vst v63  }
0x45: {  	_ =	swait.ge [sflag:s28], $0x2000  }
0x46: {  	[sflag:s28] =	ssyncset.done $0x0  }
0x47: {  	[sflag:s28] =	ssyncadd.s32 $0xFFFFE000  }
0x48: {  	_ =	swait.ge [sflag:s28], $0x2000  }
0x49: {  	[sflag:s28] =	ssyncset.done $0x0  }
0x4a: {  	s5 =	simm.s32 @!p0 $0x8;
	[sflag:s28] =	ssyncadd.s32 $0xFFFFE000  }
0x4b: {  	[hbm4b:s6+s2] =	stream.linear.scatter [tilespmem:s15], [sflag:$0x6], $0x4000, $0x38;
	[tilespmem:$0x16400] =	vst v63  }
0x4c: {  	_ =	swait.ge @!p0 [sflag:s5], $0x4000  }
0x4d: {  	[sflag:s5] =	ssyncset.done @!p0 $0x0  }
0x4e: {  	s25 =	simm.s32 @!p0 $0x12400;
	[sflag:s5] =	ssyncadd.s32 @!p0 $0xFFFFC000;
	s5 =	sadd.s32 @!p0 $0x300, s24  }
0x4f: {  	[tilespmem:s25], [sflag:$0x4] =	stream.indirect.gather @!p0 [hbm4b:s3+s4], $0x40, s5, s4, $0xb8;
	[tilespmem:$0x16400] =	vst v63  }
0x50: {  	s5 =	sadd.s32 @!p0 $0x380, s24;
	s24 =	simm.s32 @!p0 $0x14400  }
0x51: {  	[tilespmem:s24], [sflag:$0x4] =	stream.indirect.gather @!p0 [hbm4b:s3+s4], $0x40, s5, s4, $0xb8;
	[tilespmem:$0x16400] =	vst v63  }
0x52: {  	_ =	swait.ge [sflag:s29], $0x2000  }
0x53: {  	[sflag:s29] =	ssyncset.done $0x0  }
0x54: {  	[sflag:s29] =	ssyncadd.s32 $0xFFFFE000  }
0x55: {  	_ =	swait.ge [sflag:s29], $0x2000  }
0x56: {  	p0 =	seq.s32 s22, $0x18000;
	[sflag:s29] =	ssyncset.done $0x0  }
0x57: {  	s4 =	simm.s32 @!p0 $0x5;
	[sflag:s29] =	ssyncadd.s32 $0xFFFFE000  }
0x58: {  	[hbm4b:s9+s2] =	stream.linear.scatter [tilespmem:s19], [sflag:$0x7], $0x4000, $0x38;
	[tilespmem:$0x16400] =	vst v63  }
0x59: {  	_ =	swait.ge @!p0 [sflag:s4], $0x4000  }
0x5a: {  	[sflag:s4] =	ssyncset.done @!p0 $0x0  }
0x5b: {  	[sflag:s4] =	ssyncadd.s32 @!p0 $0xFFFFC000;
	s4 =	sshra.s32 @!p0 s22, $0x2  }
0x5c: {  	s24 =	simm.s32 @!p0 $0x80;
	s25 =	simm.s32 @!p0 $0x6400;
	s5 =	sadd.s32 @!p0 $0x400, s4  }
0x5d: {  	[tilespmem:s25], [sflag:$0x1] =	stream.indirect.gather @!p0 [hbm4b:s3+s24], $0x40, s5, s24, $0xb8;
	[tilespmem:$0x16400] =	vst v63  }
0x5e: {  	s4 =	sadd.s32 @!p0 $0x480, s4;
	s5 =	simm.s32 @!p0 $0x8400  }
0x5f: {  	[tilespmem:s5], [sflag:$0x1] =	stream.indirect.gather @!p0 [hbm4b:s3+s24], $0x40, s4, s24, $0xb8;
	[tilespmem:$0x16400] =	vst v63  }
0x60: {  	_ =	swait.ge [sflag:s30], $0x2000  }
0x61: {  	[sflag:s30] =	ssyncset.done $0x0  }
.Ltmp2:
0x62: {  	[sflag:s30] =	ssyncadd.s32 $0xFFFFE000;
	(pc) =	sbr.rel @p0 .LBB2_4-.Ltmp2, $4  }
0x63: {  	_ =	swait.ge [sflag:s30], $0x2000  }
0x64: {  	[sflag:s30] =	ssyncset.done $0x0  }
0x65: {  	[sflag:s30] =	ssyncadd.s32 $0xFFFFE000  }
0x66: {  	[hbm4b:s8+s2] =	stream.linear.scatter [tilespmem:s23], [sflag:$0x8], $0x4000, $0x38;
	[tilespmem:$0x16400] =	vst v63  }
0x67: {  	_ =	swait.ge [sflag:s0], $0x4000;
	s4 =	sshra.s32 s22, $0x2;
	s22 =	sadd.s32 $0x1000, s22  }
.Ltmp3:
0x68: {  	s6 =	sadd.s32 $0x2000, s6;
	[sflag:s0] =	ssyncset.done $0x0;
	(pc) =	sbr.rel .LBB2_2-.Ltmp3, $4  }
0x69: {  	s7 =	sadd.s32 $0x2000, s7;
	s5 =	sadd.s32 $0x500, s4;
	[sflag:s0] =	ssyncadd.s32 $0xFFFFC000  }
0x6a: {  	[tilespmem:s15], [sflag:$0x2] =	stream.indirect.gather [hbm4b:s3+s11], $0x40, s5, s11, $0xb8;
	[tilespmem:$0x16400] =	vst v63  }
0x6b: {  	s8 =	sadd.s32 $0x2000, s8;
	s9 =	sadd.s32 $0x2000, s9;
	s4 =	sadd.s32 $0x580, s4  }
0x6c: {  	[tilespmem:s17], [sflag:$0x2] =	stream.indirect.gather [hbm4b:s3+s11], $0x40, s4, s11, $0xb8;
	[tilespmem:$0x16400] =	vst v63  }
.LBB2_5:
0x6d: {  	_ =	sfence.sel $0x180000  }
0x6e: {  	[bflag:$0x0] =	sbarrier.arrive $0xFFFF  }
0x6f: {  	_ =	strace $0x90000047  }
0x70: {  	s0 =	stileid.u32;
	[bflag:$0x2] =	sbarrier.arrive $0xFFFF  }
0x71: {  	p0 =	sne.s32 s0, $0x0;
	s0 =	rddreg [dreg:$0x2]  }
0x72: {  	s0 =	sadd.s32 @!p0 $0x100000, s0  }
0x73: {  	[sflag:s0] =	ssyncadd.tile.s32 @!p0 $0x1;
	_ =	shalt  }
.Lfunc_end2:
_tile_overlayer_lowered:
.L_overlay_start_2:
0x74: {  	(tag) =	ssettag $0x2  }
0x75: {  	s0 =	rddreg [dreg:$0x0];
	s2 =	stileid.u32  }
0x76: {  	s1 =	rddreg [dreg:$0x1];
	p0 =	sne.s32 s2, $0x0  }
0x77: {  	s3 =	rddreg [dreg:$0x2];
	[bflag:$0x3] =	sbarrier.arrive $0xFFFF;
	s2 =	simm.s32 @!p0 $0x1C09  }
0x78: {  	[timem:s3], [sflag:s2] =	dma.local @!p0 [hbm:s0], s1  }
0x79: {  	s0 =	simm.s32 @!p0 $0x9  }
0x7a: {  	_ =	swait.ge @!p0 [sflag:s0], s1  }
0x7b: {  	s1 =	ssub.s32 @!p0 $0x0, s1;
	[sflag:s0] =	ssyncset.done @!p0 $0x0  }
0x7c: {  	[sflag:s0] =	ssyncadd.s32 @!p0 s1  }
0x7d: {  	[bflag:$0x3] =	sbarrier.arrive $0xFFFF  }
0x7e: {  	_ =	shalt  }

// kernel: sparse-core-data-format-call.cloned.1.call-start
scs
called_computation_lowered:
.L_overlay_start_0:
0x0: {  	s2 =	sld [smem:$0x3FD9]  }
0x1: {  	s3 =	sld [smem:$0x3FFE];
	_ =	sdelay $0x1  }
0x2: {  	s1 =	srdreg.scid  }
0x3: {  	s0 =	sand.u32 $0x1, s1  }
0x4: {  	s18 =	sshll.u32 s0, $0xA;
	s2 =	sadd.s32 s3, s2  }
0x5: {  	s2 =	sadd.s32 s2, s18  }
0x6: {  	[smem:$0x3FC6] =	sst s2  }
0x7: {  	_ = 	snop  }
0x8: {  	s2 =	sld [smem:$0x3FD0];
	(tm) =	ssettm $0x1  }
0x9: {  	s19 =	sld [smem:$0x3FFB];
	_ =	sdelay $0x3  }
0xa: {  	_ =	strace s19  }
0xb: {  	s3 =	sld [smem:$0x3FFC];
	_ =	sdelay $0x3  }
0xc: {  	_ =	strace s3  }
0xd: {  	s3 =	sld [smem:$0x3FFD];
	_ =	sdelay $0x3  }
0xe: {  	_ =	strace s3  }
0xf: {  	_ =	strace $0x8FFFFFFF  }
0x10: {  	s20 =	sld [smem:$0x3FDB];
	_ =	sdelay $0x1  }
0x11: {  	s4 =	simm.s32 $_scs_section_size  }
0x12: {  	s5 =	simm.s32 $_size__tile_overlayer_lowered;
	s6 =	simm.s32 $_tile_overlayer_lowered  }
0x13: {  	s23 =	simm.s32 $0x1BFF;
	s22 =	sshll.u32 s6, $0x1;
	s3 =	sadd.s32 s4, s20  }
0x14: {  	s7 =	simm.s32 $0x0;
	s21 =	sshll.u32 s5, $0x1;
	s5 =	sadd.s32 s22, s3  }
0x15: {  	[timem:s7], [sflag:s23] =	dma.local [hbm:s5], s21  }
0x16: {  	_ =	swait.ge [sflag:s23], s21  }
0x17: {  	s4 =	ssub.s32 $0x0, s21;
	[sflag:s23] =	ssyncset.done $0x0  }
0x18: {  	[sflag:s23] =	ssyncadd.s32 s4;
	_ =	sdelay $0x1  }
0x19: {  	s24 =	simm.s32 $0x1B8B  }
0x1a: {  	_ =	swait.ge [sflag:s24], $0x1  }
0x1b: {  	[sflag:s24] =	ssyncset.done $0x0  }
0x1c: {  	s26 =	simm.s32 $0x1B8E;
	s25 =	sld [smem:$0x3FFE];
	[sflag:s24] =	ssyncadd.s32 $0xFFFFFFFF  }
0x1d: {  	s27 =	simm.s32 $execute0_lowered;
	[smem:$0x3FD2] =	sst s26  }
0x1e: {  	s5 =	sshll.u32 s27, $0x1;
	_ =	strace $0x80000049;
	[dreg:$0x1] =	wrdreg $0xFFFFFFFF  }
0x1f: {  	s28 =	simm.s32 $_size_execute0_lowered;
	s3 =	sadd.s32 s3, s5;
	[dreg:$0x0] =	wrdreg $0x0  }
0x20: {  	s5 =	sshll.u32 s28, $0x1;
	[dreg:$0x2] =	wrdreg s3  }
0x21: {  	[dreg:$0x3] =	wrdreg s5  }
0x22: {  	[dreg:$0x4] =	wrdreg $0xC0  }
0x23: {  	_ =	task [dreg:s7], $0x5FFFF  }
0x24: {  	[dreg:$0x1] =	wrdreg $0xFFFFFFFF  }
0x25: {  	[dreg:$0x0] =	wrdreg $0x60  }
0x26: {  	[dreg:$0x2] =	wrdreg s25  }
0x27: {  	[dreg:$0x3] =	wrdreg s2  }
0x28: {  	[dreg:$0x4] =	wrdreg $0x9  }
0x29: {  	_ =	task.clear_ibuf [dreg:s7], $0x5FFFF;
	_ =	strace $0x90000049  }
0x2a: {  	s29 =	simm.s32 $0x9;
	_ =	strace $0x8000004B  }
0x2b: {  	_ =	swait.ge [sflag:s29], $0x1  }
0x2c: {  	[sflag:s29] =	ssyncadd.s32 $0xFFFFFFFF  }
0x2d: {  	_ =	strace $0x9000004B  }
0x2e: {  	_ =	sfence  }
0x2f: {  	s30 =	sld [smem:$0x0];
	_ =	sdelay $0x2  }
0x30: {  	s31 =	sshll.u32 s1, $0xD;
	s1 =	sshrl.u32 s1, $0x2  }
0x31: {  	s3 =	sand.u32 $0x4000, s31;
	s1 =	sadd.s32 s1, s30  }
0x32: {  	s0 =	sor.u32 s3, s0;
	s1 =	sshll.u32 s1, $0x11  }
0x33: {  	s0 =	sor.u32 s1, s0  }
0x34: {  	s0 =	sadd.s32 $0x8F2B, s0  }
0x35: {  	[sflag:s0] =	ssyncadd.remote.s32 $0x1  }
0x36: {  	_ =	sfence.sel $0xFFFF  }
0x37: {  	[dreg:$0x0] =	wrdreg $0xFFFFFFFF;
	(pc) =	sbr.abs _section_cstart, $3  }
0x38: {  	[dreg:$0x1] =	wrdreg $0xFFFFFFFF  }
0x39: {  	_ =	task.clear_ibuf [dreg:s7], $0x2FFFF;
	_ =	strace $0x9FFFFFFF  }
0x3a: {  	(tm) =	ssettm $0x7FFFFFFF  }
0x3b: {  	_ =	shalt  }
tec
execute0_lowered:
.L_overlay_start_1:
0x0: {  	(tag) =	ssettag $0x1  }
0x1: {  	s0 =	srdreg.scid  }
0x2: {  	s1 =	sshll.u32 s0, $0x4  }
0x3: {  	s0 =	stileid.u32;
	s1 =	sand.u32 $0x10, s1  }
0x4: {  	s1 =	sor.u32 s0, s1  }
0x5: {  	s6 =	rddreg [dreg:$0x0];
	s4 =	simm.s32 $0x1;
	s2 =	sshll.u32 s1, $0x7  }
0x6: {  	s7 =	simm.s32 $0x2;
	s12 =	simm.s32 $0x0;
	s1 =	ssub.s32 $0x4000, s2  }
0x7: {  	s8 =	simm.s32 $0x20000;
	s13 =	simm.s32 $0x0;
	s3 =	sand.u32 $0xF80, s1  }
0x8: {  	s9 =	simm.s32 $0x0;
	s5 =	sshrl.u32 s1, $0xC;
	p0 =	sne.s32 s3, $0x0  }
.Ltmp0:
0x9: {  	s1 =	rddreg [dreg:$0x2];
	s4 =	simm.s32 @!p0 $0x0;
	(pc) =	sbr.rel .LBB1_1-.Ltmp0, $4  }
0xa: {  	s11 =	simm.s32 $0x0;
	s3 =	rddreg [dreg:$0x1];
	s5 =	sadd.s32 s4, s5  }
0xb: {  	_ =	strace $0x8000004A;
	s4 =	simm.s32 $0x1;
	s5 =	smul.u32 $0x32, s5  }
0xc: {  	s6 =	sadd.s32 $0xA00, s6;
	s10 =	smov.u32 s2;
	[sflag:s4] =	ssyncpa.u1 $0x0  }
0xd: {  	p0 =	por $0x0, $0x0;
	[sflag:s7] =	ssyncpa.u1 $0x0;
	s7 =	sor.u32 $0x1, s5  }
.LBB1_4:
0xe: {  	s16 =	sshll.u32 s13, $0x3;
	s17 =	sand.u32 $0x78, s13  }
0xf: {  	s30 =	sand.u32 $0x1F800, s13;
	s12 =	sshll.u32 s12, $0x11;
	s16 =	sand.u32 $0x3C00, s16  }
0x10: {  	[tilespmem:s15+$0x810 ss:$0x81] =	vst.msk $0xffff, v2;
	s31 =	sand.u32 $0x7, s13;
	s16 =	sor.u32 s17, s16;
	s17 =	sadd.s32 s3, s30  }
0x11: {  	[tilespmem:s15+$0x1020 ss:$0x81] =	vst.msk $0xffff, v0;
	s13 =	sshll.u32 s31, $0x12;
	s12 =	sadd.s32 s12, s17;
	s16 =	sshrl.u32 s16, $0x3  }
0x12: {  	[tilespmem:s15+$0x0 ss:$0x81] =	vst.msk $0xffff, v1;
	s13 =	sor.u32 $0x400, s13;
	s12 =	sadd.s32 s16, s12  }
0x13: {  	[hbm4b:s12+s13] =	stream.strided.scatter [tilespmem:s14], [sflag:$0x2], $0x2000, s8, s13, $0x20;
	[tilespmem:$0x8080] =	vst v63  }
.LBB1_5:
0x14: {  	s14 =	sadd.s32 $0x1, s9  }
0x15: {  	s12 =	sadd.s32 $0x1000, s10;
	s16 =	smov.u32 s10;
	p2 =	sgt.s32 s14, $0x31  }
0x16: {  	s16 =	smov.u32 @p2 s12  }
0x17: {  	s14 =	simm.s32 @p2 $0x0;
	p2 =	sgt.s32 s16, $0x3FFF  }
0x18: {  	s16 =	smov.u32 @p2 s2;
	p2 =	sne.s32 s11, s7  }
.Ltmp1:
0x19: {  	p1 =	slt.u32 s11, $0x2;
	(pc) =	sbr.rel @!p2 .LBB1_6-.Ltmp1, $4  }
0x1a: {  	s15 =	simm.s32 @!p1 $0x2  }
0x1b: {  	s13 =	smov.u32 s10;
	p0 =	por !p0, !p0;
	_ =	swait.ge @!p1 [sflag:s15], $0x2000  }
0x1c: {  	s12 =	smov.u32 s9;
	[sflag:s15] =	ssyncset.done @!p1 $0x0;
	s9 =	smov.u32 s14  }
0x1d: {  	s11 =	sadd.s32 $0x1, s11;
	[sflag:s15] =	ssyncadd.s32 @!p1 $0xFFFFE000;
	s10 =	smov.u32 s16  }
.LBB1_1:
0x1e: {  	p1 =	sge.u32 s11, s5  }
0x1f: {  	s14 =	sand.u32 @!p1 $0x1FFFFFF, s9  }
0x20: {  	s15 =	smulhi.u32 @!p1 $0x4924925, s14;
	_ =	sdelay $0x1  }
0x21: {  	s15 =	smul.u32 @!p1 $0x38, s15  }
0x22: {  	s16 =	sxor.u32 @!p1 $0xFFFFFFFF, s11;
	s17 =	smul.u32 @!p1 $0x380, s10  }
0x23: {  	s31 =	sadd.s32 $0xFFFFFFFF, s11;
	s16 =	sshll.u32 @!p1 s16, $0xD;
	s14 =	ssub.s32 @!p1 s14, s15  }
0x24: {  	s15 =	sand.u32 @!p1 $0x2000, s16;
	s16 =	sadd.s32 @!p1 s6, s17;
	s14 =	sshll.u32 @!p1 s14, $0x4  }
0x25: {  	s17 =	simm.s32 @!p1 $0x1C00;
	s14 =	sadd.s32 @!p1 s14, s16;
	s16 =	simm.s32 @!p1 $0x40  }
0x26: {  	[tilespmem:s15], [sflag:$0x1] =	stream.strided.gather @!p1 [hbm4b:s14+s16], $0x2000, s17, s16, $0x38;
	[tilespmem:$0x8080] =	vst v63  }
0x27: {  	p1 =	sge.u32 s31, s5  }
.Ltmp2:
0x28: {  	_ = 	snop;
	(pc) =	sbr.rel @p1 .LBB1_5-.Ltmp2, $1  }
0x29: {  	_ =	sdelay $0x3  }
0x2a: {  	s14 =	simm.s32 $0x1  }
0x2b: {  	_ =	swait.ge [sflag:s4], $0x2000;
	s14 =	simm.s32 @!p0 $0x0  }
0x2c: {  	[sflag:s4] =	ssyncset.done $0x0;
	s15 =	sshll.u32 s14, $0xD  }
0x2d: {  	[sflag:s4] =	ssyncadd.s32 $0xFFFFE000;
	s18 =	sor.u32 $0x20, s15  }
0x2e: {  	s14 =	smul.u32 $0x8100, s14;
	v3 =	vld [tilespmem:s18+$0x10]  }
0x2f: {  	s30 =	sand.u32 $0x1, s11;
	v2 =	vld [tilespmem:s18+$0xFFFFFFF0]  }
0x30: {  	s15 =	smul.u32 $0x8100, s30;
	s14 =	sshrl.u32 s14, $0x2;
	v0 =	vld [tilespmem:s18+$0x0]  }
0x31: {  	v1 =	vld [tilespmem:s18+$0xFFFFFFE0];
	s16 =	sor.u32 $0x4000, s14  }
0x32: {  	s31 =	sshrl.u32 s15, $0x2;
	s15 =	sadd.s32 $0x0, s16  }
0x33: {  	s17 =	simm.s32 $0x4;
	s18 =	sadd.s32 $0x40, s18;
	s14 =	sor.u32 $0x4000, s31;
	[tilespmem:s15+$0x1830 ss:$0x81] =	vst.msk $0xffff, v3  }
.LBB1_3:
0x34: {  	v3 =	vld [tilespmem:s18+$0x10];
	p1 =	sne.s32 s17, $0x1FC;
	[tilespmem:s15+$0x810 ss:$0x81] =	vst.msk $0xffff, v2;
	s19 =	smov.u32 s17;
	s17 =	sadd.s32 $0x4, s17  }
.Ltmp3:
0x35: {  	v2 =	vld [tilespmem:s18+$0xFFFFFFF0];
	[tilespmem:s15+$0x1020 ss:$0x81] =	vst.msk $0xffff, v0;
	(pc) =	sbr.rel @p1 .LBB1_3-.Ltmp3, $4  }
0x36: {  	v0 =	vld [tilespmem:s18+$0x0];
	[tilespmem:s15+$0x0 ss:$0x81] =	vst.msk $0xffff, v1  }
0x37: {  	s15 =	sshra.s32 s19, $0x2;
	v1 =	vld [tilespmem:s18+$0xFFFFFFE0]  }
0x38: {  	s15 =	sadd.s32 s15, s16  }
0x39: {  	s18 =	sadd.s32 $0x40, s18;
	[tilespmem:s15+$0x1830 ss:$0x81] =	vst.msk $0xffff, v3  }
.Ltmp4:
0x3a: {  	_ = 	snop;
	(pc) =	sbr.rel .LBB1_4-.Ltmp4, $1  }
0x3b: {  	_ =	sdelay $0x3  }
.LBB1_6:
0x3c: {  	_ =	sfence.sel $0x180000  }
0x3d: {  	s2 =	simm.s32 $0x1;
	[bflag:$0x0] =	sbarrier.arrive $0xFFFF  }
0x3e: {  	s31 =	simm.s32 $0x2;
	[sflag:s2] =	ssyncpa.u1 $0x1  }
0x3f: {  	[sflag:s31] =	ssyncpa.u1 $0x1  }
0x40: {  	p0 =	sne.s32 s0, $0x0;
	_ =	strace $0x9000004A  }
0x41: {  	s0 =	sadd.s32 @!p0 $0x100000, s1;
	[bflag:$0x2] =	sbarrier.arrive $0xFFFF  }
0x42: {  	[sflag:s0] =	ssyncadd.tile.s32 @!p0 $0x1;
	_ =	shalt  }
.Lfunc_end1:
_tile_overlayer_lowered:
.L_overlay_start_2:
0x43: {  	(tag) =	ssettag $0x2  }
0x44: {  	s0 =	rddreg [dreg:$0x0];
	s2 =	stileid.u32  }
0x45: {  	s1 =	rddreg [dreg:$0x1];
	p0 =	sne.s32 s2, $0x0  }
0x46: {  	s3 =	rddreg [dreg:$0x2];
	[bflag:$0x3] =	sbarrier.arrive $0xFFFF;
	s2 =	simm.s32 @!p0 $0x1C01  }
0x47: {  	[timem:s3], [sflag:s2] =	dma.local @!p0 [hbm:s0], s1  }
0x48: {  	s0 =	simm.s32 @!p0 $0x1  }
0x49: {  	_ =	swait.ge @!p0 [sflag:s0], s1  }
0x4a: {  	s1 =	ssub.s32 @!p0 $0x0, s1;
	[sflag:s0] =	ssyncset.done @!p0 $0x0  }
0x4b: {  	[sflag:s0] =	ssyncadd.s32 @!p0 s1  }
0x4c: {  	[bflag:$0x3] =	sbarrier.arrive $0xFFFF  }
0x4d: {  	_ =	shalt  }

</sc_bundles>
